<compile_context>
chip_gen: v7x
topology: tpu7x:2x2x1
jax: 0.10.2.dev20260603
libtpu: 0.0.44.dev20260713+nightly
codegen_flags: <defaults>
</compile_context>

<pallas_src>
import functools

import jax
import jax.numpy as jnp
from jax import lax
from jax.experimental import pallas as pl
from jax.experimental.pallas import tpu as pltpu
from jax.experimental.pallas import tpu_sc as plsc

N = 10000
E = 320000
D = 128
DE = 16
NG = 64

NC = 2
NS = 16
NW = NC * NS
CH = 128
CPW = -(-E // (NW * CH))
EPAD = CPW * NW * CH
NPAD = 10240
ZR = NPAD // NS
OR = NPAD // NS
PAD_DST = NPAD - 2

_MESH = dict(core_axis_name="c", subcore_axis_name="s")


def _sc_edge_tables(attrp, srcp, dstp, zrows):

    @functools.partial(
        pl.kernel,
        out_type=(
            jax.ShapeDtypeStruct((NC, NPAD, DE), jnp.float32),
            jax.ShapeDtypeStruct((NC, NPAD, DE), jnp.float32),
        ),
        mesh=plsc.VectorSubcoreMesh(**_MESH),
        scratch_types=[
            pltpu.VMEM((CH,), jnp.int32),
            pltpu.VMEM((CH,), jnp.int32),
            pltpu.VMEM((CH, DE), jnp.float32),
            pltpu.VMEM((CH, DE), jnp.float32),
            pltpu.VMEM_SHARED((NPAD, DE), jnp.float32),
            pltpu.VMEM_SHARED((NPAD, DE), jnp.float32),
            pltpu.SemaphoreType.DMA,
        ],
    )
    def k(attr_hbm, src_hbm, dst_hbm, zero_hbm, a_hbm, c_hbm,
          sidx, didx, rows, ones_v, tab_a, tab_c, sem):
        cid = lax.axis_index("c")
        sid = lax.axis_index("s")
        wid = cid * NS + sid

        @pl.loop(0, CH)
        def _(r):
            ones_v[r] = jnp.ones((DE,), jnp.float32)

        pltpu.sync_copy(zero_hbm, tab_a.at[pl.ds(sid * ZR, ZR)])
        pltpu.sync_copy(zero_hbm, tab_c.at[pl.ds(sid * ZR, ZR)])
        plsc.subcore_barrier()

        base0 = wid * (CPW * CH)

        @pl.loop(0, CPW)
        def _(i):
            base = base0 + i * CH
            pltpu.sync_copy(src_hbm.at[pl.ds(base, CH)], sidx)
            pltpu.sync_copy(dst_hbm.at[pl.ds(base, CH)], didx)
            pltpu.async_copy(attr_hbm.at[pl.ds(base, CH)], rows, sem).wait()
            pltpu.sync_copy(rows, tab_a.at[sidx], add=True)
            pltpu.sync_copy(rows, tab_a.at[didx], add=True)
            pltpu.sync_copy(ones_v, tab_c.at[didx], add=True)

        plsc.subcore_barrier()
        pltpu.sync_copy(tab_a.at[pl.ds(sid * OR, OR)],
                        a_hbm.at[cid, pl.ds(sid * OR, OR)])
        pltpu.sync_copy(tab_c.at[pl.ds(sid * OR, OR)],
                        c_hbm.at[cid, pl.ds(sid * OR, OR)])

    return k(attrp, srcp, dstp, zrows)


def _sc_gather_scatter(g, srcp, dstp, zrows):

    @functools.partial(
        pl.kernel,
        out_type=jax.ShapeDtypeStruct((NC, NPAD, D), jnp.float32),
        mesh=plsc.VectorSubcoreMesh(**_MESH),
        scratch_types=[
            pltpu.VMEM((CH,), jnp.int32),
            pltpu.VMEM((CH,), jnp.int32),
            pltpu.VMEM((CH, D), jnp.float32),
            pltpu.VMEM_SHARED((NPAD, D), jnp.float32),
            pltpu.SemaphoreType.DMA,
        ],
    )
    def k(g_hbm, src_hbm, dst_hbm, zero_hbm, out_hbm, sidx, didx, rows, tab, sem):
        cid = lax.axis_index("c")
        sid = lax.axis_index("s")
        wid = cid * NS + sid

        pltpu.sync_copy(zero_hbm, tab.at[pl.ds(sid * ZR, ZR)])
        plsc.subcore_barrier()

        base0 = wid * (CPW * CH)

        @pl.loop(0, CPW)
        def _(i):
            base = base0 + i * CH
            pltpu.sync_copy(src_hbm.at[pl.ds(base, CH)], sidx)
            pltpu.sync_copy(dst_hbm.at[pl.ds(base, CH)], didx)
            pltpu.async_copy(g_hbm.at[sidx], rows, sem).wait()
            pltpu.sync_copy(rows, tab.at[didx], add=True)

        plsc.subcore_barrier()
        pltpu.sync_copy(tab.at[pl.ds(sid * OR, OR)],
                        out_hbm.at[cid, pl.ds(sid * OR, OR)])

    return k(g, srcp, dstp, zrows)


def _tc_h1(x, W1):
    def body(x_ref, w_ref, o_ref):
        o_ref[...] = jnp.dot(x_ref[...], w_ref[...],
                             preferred_element_type=jnp.float32)

    return pl.pallas_call(
        body, out_shape=jax.ShapeDtypeStruct((N, D), jnp.float32),
    )(x, W1)


def _tc_prep(h1, A, C):

    def body(h_ref, a_ref, c_ref, g_ref, dinv_ref, e_ref):
        cnt = c_ref[0, :N, 0:1] + c_ref[1, :N, 0:1]
        dinv = lax.rsqrt(cnt + 1.0)
        g_ref[...] = h_ref[...] * dinv
        dinv_ref[...] = dinv
        e_ref[...] = a_ref[0, :N, :] + a_ref[1, :N, :]

    return pl.pallas_call(
        body,
        out_shape=(
            jax.ShapeDtypeStruct((N, D), jnp.float32),
            jax.ShapeDtypeStruct((N, 1), jnp.float32),
            jax.ShapeDtypeStruct((N, DE), jnp.float32),
        ),
    )(h1, A, C)


def _tc_mid(S1, g1, dinv, W2, b1):
    def body(s_ref, g_ref, d_ref, w_ref, b_ref, o_ref):
        dinv = d_ref[...]
        agg = s_ref[0, :N, :] + s_ref[1, :N, :] + g_ref[...]
        out1 = jnp.maximum(dinv * agg + b_ref[...], 0.0)
        h2 = jnp.dot(out1, w_ref[...], preferred_element_type=jnp.float32)
        o_ref[...] = h2 * dinv

    return pl.pallas_call(
        body, out_shape=jax.ShapeDtypeStruct((N, D), jnp.float32),
    )(S1, g1, dinv, W2, b1)


def _tc_final(S2, g2, dinv, b2, eagg, batchf, Wl, bl):
    def body(s_ref, g_ref, d_ref, b2_ref, e_ref, bt_ref, wl_ref, bl_ref, o_ref):
        agg = s_ref[0, :N, :] + s_ref[1, :N, :] + g_ref[...]
        out2 = d_ref[...] * agg + b2_ref[...]
        gid = lax.broadcasted_iota(jnp.int32, (NG, N), 0)
        oh = (gid == bt_ref[...]).astype(jnp.float32)
        sums_h = jnp.dot(oh, out2, preferred_element_type=jnp.float32)
        sums_e = jnp.dot(oh, e_ref[...], preferred_element_type=jnp.float32)
        counts = jnp.sum(oh, axis=1, keepdims=True)
        num = (jnp.dot(sums_h, wl_ref[:D, :], preferred_element_type=jnp.float32)
               + jnp.dot(sums_e, wl_ref[D:, :], preferred_element_type=jnp.float32))
        o_ref[...] = num / jnp.maximum(counts, 1.0) + bl_ref[...]

    return pl.pallas_call(
        body, out_shape=jax.ShapeDtypeStruct((NG, 1), jnp.float32),
    )(S2, g2, dinv, b2, eagg, batchf, Wl, bl)


def kernel(x, edge_index, edge_attr, batch, W1, b1, W2, b2, Wl, bl):
    src = edge_index[0].astype(jnp.int32)
    dst = edge_index[1].astype(jnp.int32)
    npad = EPAD - E
    srcp = jnp.concatenate([src, jnp.zeros((npad,), jnp.int32)])
    dstp = jnp.concatenate([dst, jnp.full((npad,), PAD_DST, jnp.int32)])
    attrp = jnp.concatenate(
        [edge_attr.astype(jnp.float32), jnp.zeros((npad, DE), jnp.float32)])
    z16 = jnp.zeros((ZR, DE), jnp.float32)
    z128 = jnp.zeros((ZR, D), jnp.float32)

    A, C = _sc_edge_tables(attrp, srcp, dstp, z16)
    h1 = _tc_h1(x, W1)
    g1, dinv, eagg = _tc_prep(h1, A, C)
    S1 = _sc_gather_scatter(g1, srcp, dstp, z128)
    g2 = _tc_mid(S1, g1, dinv, W2, b1.reshape(1, D))
    S2 = _sc_gather_scatter(g2, srcp, dstp, z128)
    batchf = batch.astype(jnp.int32).reshape(1, N)
    return _tc_final(S2, g2, dinv, b2.reshape(1, D), eagg, batchf,
                     Wl, bl.reshape(1, 1))

# --- scband reference (transcript-rebuilt; emitter-appended) ---
"""Pipeline reference for scband-gcn-36945308680385 (READ-ONLY COPY).

The authoritative reference and input builder live on the scoring server;
editing this copy changes nothing except your own understanding.
"""

import jax, jax.numpy as jnp
import numpy as np

N_NODES = 10000
N_EDGES = 320000
D_FEAT = 128
D_EDGE = 16
HID = 128
N_GRAPHS = 64


def gcn_conv(x, edge_index, W, b):
    num_nodes = x.shape[0]
    src = edge_index[0]
    dst = edge_index[1]
    loop = jnp.arange(num_nodes, dtype=src.dtype)
    src = jnp.concatenate([src, loop])
    dst = jnp.concatenate([dst, loop])
    h = x @ W
    deg = jax.ops.segment_sum(jnp.ones(dst.shape[0], dtype=h.dtype), dst, num_segments=num_nodes)
    dinv = jnp.where(deg > 0, jax.lax.rsqrt(jnp.maximum(deg, 1e-12)), 0.0)
    norm = dinv[src] * dinv[dst]
    msgs = h[src] * norm[:, None]
    out = jax.ops.segment_sum(msgs, dst, num_segments=num_nodes)
    return out + b


def setup_inputs(seed: int = 0) -> dict:
    key = jax.random.key(seed)
    ks = jax.random.split(key, 12)
    x = jax.random.normal(ks[0], (N_NODES, D_FEAT), dtype=jnp.float32)
    edge_index = jax.random.randint(ks[1], (2, N_EDGES), 0, N_NODES)
    edge_attr = jax.random.normal(ks[2], (N_EDGES, D_EDGE), dtype=jnp.float32)
    batch = jnp.sort(jax.random.randint(ks[3], (N_NODES,), 0, N_GRAPHS))
    W1 = jax.random.normal(ks[4], (D_FEAT, HID), dtype=jnp.float32) * (1.0 / np.sqrt(D_FEAT))
    b1 = jnp.zeros((HID,), dtype=jnp.float32)
    W2 = jax.random.normal(ks[5], (HID, HID), dtype=jnp.float32) * (1.0 / np.sqrt(HID))
    b2 = jnp.zeros((HID,), dtype=jnp.float32)
    Wl = jax.random.normal(ks[6], (HID + D_EDGE, 1), dtype=jnp.float32) * (1.0 / np.sqrt(HID + D_EDGE))
    bl = jnp.zeros((1,), dtype=jnp.float32)
    return {"x": x, "edge_index": edge_index, "edge_attr": edge_attr, "batch": batch,
            "W1": W1, "b1": b1, "W2": W2, "b2": b2, "Wl": Wl, "bl": bl}


def reference(x, edge_index, edge_attr, batch, W1, b1, W2, b2, Wl, bl):
    h = jax.nn.relu(gcn_conv(x, edge_index, W1, b1))
    h = gcn_conv(h, edge_index, W2, b2)
    src = edge_index[0]
    dst = edge_index[1]
    edge_agg = jnp.zeros((x.shape[0], edge_attr.shape[1]), dtype=x.dtype)
    edge_agg = edge_agg.at[src].add(edge_attr)
    edge_agg = edge_agg.at[dst].add(edge_attr)
    h = jnp.concatenate([h, edge_agg], axis=-1)
    sums = jax.ops.segment_sum(h, batch, num_segments=N_GRAPHS)
    counts = jax.ops.segment_sum(jnp.ones((h.shape[0],), dtype=h.dtype), batch, num_segments=N_GRAPHS)
    pooled = sums / jnp.maximum(counts, 1.0)[:, None]
    return pooled @ Wl + bl

if __name__ == "__main__":
    import jax
    _d = setup_inputs()
    print(jax.jit(kernel)(*tuple(_d.values())))

</pallas_src>

<mosaic_0001>
#map = affine_map<(d0, d1) -> (0, 0)>
#map1 = affine_map<(d0, d1) -> (0)>
#map2 = affine_map<(d0, d1) -> (0, 0, 0)>
module attributes {stable_mosaic.version = 14 : i64} {
  func.func @k(%arg0: i32, %arg1: i32, %arg2: memref<10000x128xf32, #tpu.memory_space<hbm>>, %arg3: memref<323584xi32, #tpu.memory_space<hbm>>, %arg4: memref<323584xi32, #tpu.memory_space<hbm>>, %arg5: memref<640x128xf32, #tpu.memory_space<hbm>>, %arg6: memref<2x10240x128xf32, #tpu.memory_space<hbm>>, %arg7: memref<128xi32, #tpu.memory_space<vmem>>, %arg8: memref<128xi32, #tpu.memory_space<vmem>>, %arg9: memref<128x128xf32, #tpu.memory_space<vmem>>, %arg10: memref<10240x128xf32, #tpu.memory_space<vmem_shared>>, %arg11: memref<!tpu.dma_semaphore, #tpu.memory_space<semaphore_mem>>) attributes {dimension_semantics = [#tpu.dimension_semantics<core_parallel>, #tpu.dimension_semantics<subcore_parallel>], iteration_bounds = array<i64: 2, 16>, scalar_prefetch = 0 : i64, scratch_operands = 5 : i64, tpu.core_type = #tpu.core_type<sc_vector_subcore>, window_params = [{transform_indices = #map}, {transform_indices = #map1}, {transform_indices = #map1}, {transform_indices = #map}, {transform_indices = #map2}]} {
    %mul3A = arith.constant 16 : i32
    %mul3A_0 = arith.muli %arg0, %mul3A : i32
    %add3A = arith.addi %mul3A_0, %arg1 : i32
    %mul3A_1 = arith.constant 640 : i32
    %mul3A_2 = arith.muli %arg1, %mul3A_1 : i32
    "tpu.region"() ({
      %run_scoped3A = tpu.sem_alloc : memref<!tpu.dma_semaphore, #tpu.memory_space<semaphore_mem>>
      %dma_start3A = arith.constant 0 : i32
      %dma_start3A_14 = tpu.memref_slice %arg10[%mul3A_2, %dma_start3A] : memref<10240x128xf32, #tpu.memory_space<vmem_shared>> -> memref<640x128xf32, #tpu.memory_space<vmem_shared>>
      tpu.enqueue_dma source(%arg5 : memref<640x128xf32, #tpu.memory_space<hbm>>) target(%dma_start3A_14 : memref<640x128xf32, #tpu.memory_space<vmem_shared>>) target_semaphore(%run_scoped3A : memref<!tpu.dma_semaphore, #tpu.memory_space<semaphore_mem>>)
      %dma_wait3A = arith.constant 0 : i32
      %dma_wait3A_15 = tpu.memref_slice %arg10[%mul3A_2, %dma_wait3A] : memref<10240x128xf32, #tpu.memory_space<vmem_shared>> -> memref<640x128xf32, #tpu.memory_space<vmem_shared>>
      tpu.wait_dma2 semaphore(%run_scoped3A : memref<!tpu.dma_semaphore, #tpu.memory_space<semaphore_mem>>) src(%arg5 : memref<640x128xf32, #tpu.memory_space<hbm>>) dst(%dma_wait3A_15 : memref<640x128xf32, #tpu.memory_space<vmem_shared>>)
      tpu.yield
    }) : () -> ()
    %barrier3A = arith.constant 0 : index
    tpu.barrier barrier_id(%barrier3A)
    %mul3A_3 = arith.constant 10112 : i32
    %mul3A_4 = arith.muli %add3A, %mul3A_3 : i32
    %scan3A = arith.constant 0 : i32
    %scan3A_5 = arith.constant 79 : i32
    %scan3A_6 = arith.addi %scan3A, %scan3A_5 : i32
    %scan3A_7 = arith.constant 1 : i32
    scf.for %scan3A_14 = %scan3A to %scan3A_6 step %scan3A_7  : i32 {
      %mul3A_15 = arith.constant 1 : i32
      %mul3A_16 = arith.muli %scan3A_14, %mul3A_15 : i32
      %add3A_17 = arith.constant 0 : i32
      %add3A_18 = arith.addi %add3A_17, %mul3A_16 : i32
      %mul3A_19 = arith.constant 128 : i32
      %mul3A_20 = arith.muli %add3A_18, %mul3A_19 : i32
      %add3A_21 = arith.addi %mul3A_4, %mul3A_20 : i32
      "tpu.region"() ({
        %run_scoped3A = tpu.sem_alloc : memref<!tpu.dma_semaphore, #tpu.memory_space<semaphore_mem>>
        %dma_start3A_26 = tpu.memref_slice %arg3[%add3A_21] : memref<323584xi32, #tpu.memory_space<hbm>> -> memref<128xi32, #tpu.memory_space<hbm>>
        %dma_start3A_27 = tpu.memref_slice %arg3[%add3A_21] : memref<323584xi32, #tpu.memory_space<hbm>> -> memref<128xi32, #tpu.memory_space<hbm>>
        tpu.enqueue_dma source(%dma_start3A_27 : memref<128xi32, #tpu.memory_space<hbm>>) target(%arg7 : memref<128xi32, #tpu.memory_space<vmem>>) target_semaphore(%run_scoped3A : memref<!tpu.dma_semaphore, #tpu.memory_space<semaphore_mem>>)
        %dma_wait3A_28 = tpu.memref_slice %arg3[%add3A_21] : memref<323584xi32, #tpu.memory_space<hbm>> -> memref<128xi32, #tpu.memory_space<hbm>>
        %dma_wait3A_29 = tpu.memref_slice %arg3[%add3A_21] : memref<323584xi32, #tpu.memory_space<hbm>> -> memref<128xi32, #tpu.memory_space<hbm>>
        tpu.wait_dma2 semaphore(%run_scoped3A : memref<!tpu.dma_semaphore, #tpu.memory_space<semaphore_mem>>) src(%dma_wait3A_29 : memref<128xi32, #tpu.memory_space<hbm>>) dst(%arg7 : memref<128xi32, #tpu.memory_space<vmem>>)
        tpu.yield
      }) : () -> ()
      "tpu.region"() ({
        %run_scoped3A = tpu.sem_alloc : memref<!tpu.dma_semaphore, #tpu.memory_space<semaphore_mem>>
        %dma_start3A_26 = tpu.memref_slice %arg4[%add3A_21] : memref<323584xi32, #tpu.memory_space<hbm>> -> memref<128xi32, #tpu.memory_space<hbm>>
        %dma_start3A_27 = tpu.memref_slice %arg4[%add3A_21] : memref<323584xi32, #tpu.memory_space<hbm>> -> memref<128xi32, #tpu.memory_space<hbm>>
        tpu.enqueue_dma source(%dma_start3A_27 : memref<128xi32, #tpu.memory_space<hbm>>) target(%arg8 : memref<128xi32, #tpu.memory_space<vmem>>) target_semaphore(%run_scoped3A : memref<!tpu.dma_semaphore, #tpu.memory_space<semaphore_mem>>)
        %dma_wait3A_28 = tpu.memref_slice %arg4[%add3A_21] : memref<323584xi32, #tpu.memory_space<hbm>> -> memref<128xi32, #tpu.memory_space<hbm>>
        %dma_wait3A_29 = tpu.memref_slice %arg4[%add3A_21] : memref<323584xi32, #tpu.memory_space<hbm>> -> memref<128xi32, #tpu.memory_space<hbm>>
        tpu.wait_dma2 semaphore(%run_scoped3A : memref<!tpu.dma_semaphore, #tpu.memory_space<semaphore_mem>>) src(%dma_wait3A_29 : memref<128xi32, #tpu.memory_space<hbm>>) dst(%arg8 : memref<128xi32, #tpu.memory_space<vmem>>)
        tpu.yield
      }) : () -> ()
      %dma_start3A = arith.constant 0 : i32
      %dma_start3A_22 = arith.constant 0 : i32
      %dma_start3A_23 = tpu.memref_slice %arg2[%dma_start3A, %dma_start3A_22] : memref<10000x128xf32, #tpu.memory_space<hbm>> -> memref<10000x128xf32, #tpu.memory_space<hbm>>
      tpu.enqueue_indirect_dma source(%dma_start3A_23 : memref<10000x128xf32, #tpu.memory_space<hbm>>) target(%arg9 : memref<128x128xf32, #tpu.memory_space<vmem>>) offsets(%arg7 : memref<128xi32, #tpu.memory_space<vmem>>) semaphore(%arg11 : memref<!tpu.dma_semaphore, #tpu.memory_space<semaphore_mem>>)
      %dma_wait3A = arith.constant 0 : i32
      %dma_wait3A_24 = arith.constant 0 : i32
      %dma_wait3A_25 = tpu.memref_slice %arg2[%dma_wait3A, %dma_wait3A_24] : memref<10000x128xf32, #tpu.memory_space<hbm>> -> memref<10000x128xf32, #tpu.memory_space<hbm>>
      tpu.wait_indirect_dma semaphore(%arg11 : memref<!tpu.dma_semaphore, #tpu.memory_space<semaphore_mem>>) src(%dma_wait3A_25 : memref<10000x128xf32, #tpu.memory_space<hbm>>) dst(%arg9 : memref<128x128xf32, #tpu.memory_space<vmem>>)
      "tpu.region"() ({
        %run_scoped3A = tpu.sem_alloc : memref<!tpu.dma_semaphore, #tpu.memory_space<semaphore_mem>>
        %dma_start3A_26 = arith.constant 0 : i32
        %dma_start3A_27 = arith.constant 0 : i32
        %dma_start3A_28 = tpu.memref_slice %arg10[%dma_start3A_26, %dma_start3A_27] : memref<10240x128xf32, #tpu.memory_space<vmem_shared>> -> memref<10240x128xf32, #tpu.memory_space<vmem_shared>>
        tpu.enqueue_indirect_dma source(%arg9 : memref<128x128xf32, #tpu.memory_space<vmem>>) target(%dma_start3A_28 : memref<10240x128xf32, #tpu.memory_space<vmem_shared>>) offsets(%arg8 : memref<128xi32, #tpu.memory_space<vmem>>) semaphore(%run_scoped3A : memref<!tpu.dma_semaphore, #tpu.memory_space<semaphore_mem>>) {add = true}
        %dma_wait3A_29 = arith.constant 0 : i32
        %dma_wait3A_30 = arith.constant 0 : i32
        %dma_wait3A_31 = tpu.memref_slice %arg10[%dma_wait3A_29, %dma_wait3A_30] : memref<10240x128xf32, #tpu.memory_space<vmem_shared>> -> memref<10240x128xf32, #tpu.memory_space<vmem_shared>>
        tpu.wait_indirect_dma semaphore(%run_scoped3A : memref<!tpu.dma_semaphore, #tpu.memory_space<semaphore_mem>>) src(%arg9 : memref<128x128xf32, #tpu.memory_space<vmem>>) dst(%dma_wait3A_31 : memref<10240x128xf32, #tpu.memory_space<vmem_shared>>)
        tpu.yield
      }) : () -> ()
    }
    %scan3A_8 = arith.constant 79 : i32
    %barrier3A_9 = arith.constant 0 : index
    tpu.barrier barrier_id(%barrier3A_9)
    %mul3A_10 = arith.constant 640 : i32
    %mul3A_11 = arith.muli %arg1, %mul3A_10 : i32
    %mul3A_12 = arith.constant 640 : i32
    %mul3A_13 = arith.muli %arg1, %mul3A_12 : i32
    "tpu.region"() ({
      %run_scoped3A = tpu.sem_alloc : memref<!tpu.dma_semaphore, #tpu.memory_space<semaphore_mem>>
      %dma_start3A = arith.constant 0 : i32
      %dma_start3A_14 = tpu.memref_slice %arg6[%arg0, %mul3A_13, %dma_start3A] : memref<2x10240x128xf32, #tpu.memory_space<hbm>> -> memref<1x640x128xf32, #tpu.memory_space<hbm>>
      %dma_start3A_15 = tpu.memref_squeeze %dma_start3A_14 : memref<1x640x128xf32, #tpu.memory_space<hbm>> -> memref<640x128xf32, #tpu.memory_space<hbm>>
      %dma_start3A_16 = arith.constant 0 : i32
      %dma_start3A_17 = tpu.memref_slice %arg10[%mul3A_11, %dma_start3A_16] : memref<10240x128xf32, #tpu.memory_space<vmem_shared>> -> memref<640x128xf32, #tpu.memory_space<vmem_shared>>
      tpu.enqueue_dma source(%dma_start3A_17 : memref<640x128xf32, #tpu.memory_space<vmem_shared>>) target(%dma_start3A_15 : memref<640x128xf32, #tpu.memory_space<hbm>>) target_semaphore(%run_scoped3A : memref<!tpu.dma_semaphore, #tpu.memory_space<semaphore_mem>>)
      %dma_wait3A = arith.constant 0 : i32
      %dma_wait3A_18 = tpu.memref_slice %arg6[%arg0, %mul3A_13, %dma_wait3A] : memref<2x10240x128xf32, #tpu.memory_space<hbm>> -> memref<1x640x128xf32, #tpu.memory_space<hbm>>
      %dma_wait3A_19 = tpu.memref_squeeze %dma_wait3A_18 : memref<1x640x128xf32, #tpu.memory_space<hbm>> -> memref<640x128xf32, #tpu.memory_space<hbm>>
      %dma_wait3A_20 = arith.constant 0 : i32
      %dma_wait3A_21 = tpu.memref_slice %arg10[%mul3A_11, %dma_wait3A_20] : memref<10240x128xf32, #tpu.memory_space<vmem_shared>> -> memref<640x128xf32, #tpu.memory_space<vmem_shared>>
      tpu.wait_dma2 semaphore(%run_scoped3A : memref<!tpu.dma_semaphore, #tpu.memory_space<semaphore_mem>>) src(%dma_wait3A_21 : memref<640x128xf32, #tpu.memory_space<vmem_shared>>) dst(%dma_wait3A_19 : memref<640x128xf32, #tpu.memory_space<hbm>>)
      tpu.yield
    }) : () -> ()
    return
  }
}

#map = affine_map<(d0, d1) -> (0, 0)>
#map1 = affine_map<(d0, d1) -> (0)>
#map2 = affine_map<(d0, d1) -> (0, 0, 0)>
module attributes {stable_mosaic.version = 14 : i64} {
  func.func @k(%arg0: i32, %arg1: i32, %arg2: memref<10000x128xf32, #tpu.memory_space<hbm>>, %arg3: memref<323584xi32, #tpu.memory_space<hbm>>, %arg4: memref<323584xi32, #tpu.memory_space<hbm>>, %arg5: memref<640x128xf32, #tpu.memory_space<hbm>>, %arg6: memref<2x10240x128xf32, #tpu.memory_space<hbm>>, %arg7: memref<128xi32, #tpu.memory_space<vmem>>, %arg8: memref<128xi32, #tpu.memory_space<vmem>>, %arg9: memref<128x128xf32, #tpu.memory_space<vmem>>, %arg10: memref<10240x128xf32, #tpu.memory_space<vmem_shared>>, %arg11: memref<!tpu.dma_semaphore, #tpu.memory_space<semaphore_mem>>) attributes {dimension_semantics = [#tpu.dimension_semantics<core_parallel>, #tpu.dimension_semantics<subcore_parallel>], iteration_bounds = array<i64: 2, 16>, scalar_prefetch = 0 : i64, scratch_operands = 5 : i64, tpu.core_type = #tpu.core_type<sc_vector_subcore>, window_params = [{transform_indices = #map}, {transform_indices = #map1}, {transform_indices = #map1}, {transform_indices = #map}, {transform_indices = #map2}]} {
    %mul3A = arith.constant 16 : i32
    %mul3A_0 = arith.muli %arg0, %mul3A : i32
    %add3A = arith.addi %mul3A_0, %arg1 : i32
    %mul3A_1 = arith.constant 640 : i32
    %mul3A_2 = arith.muli %arg1, %mul3A_1 : i32
    "tpu.region"() ({
      %run_scoped3A = tpu.sem_alloc : memref<!tpu.dma_semaphore, #tpu.memory_space<semaphore_mem>>
      %dma_start3A = arith.constant 0 : i32
      %dma_start3A_14 = tpu.memref_slice %arg10[%mul3A_2, %dma_start3A] : memref<10240x128xf32, #tpu.memory_space<vmem_shared>> -> memref<640x128xf32, #tpu.memory_space<vmem_shared>>
      tpu.enqueue_dma source(%arg5 : memref<640x128xf32, #tpu.memory_space<hbm>>) target(%dma_start3A_14 : memref<640x128xf32, #tpu.memory_space<vmem_shared>>) target_semaphore(%run_scoped3A : memref<!tpu.dma_semaphore, #tpu.memory_space<semaphore_mem>>)
      %dma_wait3A = arith.constant 0 : i32
      %dma_wait3A_15 = tpu.memref_slice %arg10[%mul3A_2, %dma_wait3A] : memref<10240x128xf32, #tpu.memory_space<vmem_shared>> -> memref<640x128xf32, #tpu.memory_space<vmem_shared>>
      tpu.wait_dma2 semaphore(%run_scoped3A : memref<!tpu.dma_semaphore, #tpu.memory_space<semaphore_mem>>) src(%arg5 : memref<640x128xf32, #tpu.memory_space<hbm>>) dst(%dma_wait3A_15 : memref<640x128xf32, #tpu.memory_space<vmem_shared>>)
      tpu.yield
    }) : () -> ()
    %barrier3A = arith.constant 0 : index
    tpu.barrier barrier_id(%barrier3A)
    %mul3A_3 = arith.constant 10112 : i32
    %mul3A_4 = arith.muli %add3A, %mul3A_3 : i32
    %scan3A = arith.constant 0 : i32
    %scan3A_5 = arith.constant 79 : i32
    %scan3A_6 = arith.addi %scan3A, %scan3A_5 : i32
    %scan3A_7 = arith.constant 1 : i32
    scf.for %scan3A_14 = %scan3A to %scan3A_6 step %scan3A_7  : i32 {
      %mul3A_15 = arith.constant 1 : i32
      %mul3A_16 = arith.muli %scan3A_14, %mul3A_15 : i32
      %add3A_17 = arith.constant 0 : i32
      %add3A_18 = arith.addi %add3A_17, %mul3A_16 : i32
      %mul3A_19 = arith.constant 128 : i32
      %mul3A_20 = arith.muli %add3A_18, %mul3A_19 : i32
      %add3A_21 = arith.addi %mul3A_4, %mul3A_20 : i32
      "tpu.region"() ({
        %run_scoped3A = tpu.sem_alloc : memref<!tpu.dma_semaphore, #tpu.memory_space<semaphore_mem>>
        %dma_start3A_26 = tpu.memref_slice %arg3[%add3A_21] : memref<323584xi32, #tpu.memory_space<hbm>> -> memref<128xi32, #tpu.memory_space<hbm>>
        %dma_start3A_27 = tpu.memref_slice %arg3[%add3A_21] : memref<323584xi32, #tpu.memory_space<hbm>> -> memref<128xi32, #tpu.memory_space<hbm>>
        tpu.enqueue_dma source(%dma_start3A_27 : memref<128xi32, #tpu.memory_space<hbm>>) target(%arg7 : memref<128xi32, #tpu.memory_space<vmem>>) target_semaphore(%run_scoped3A : memref<!tpu.dma_semaphore, #tpu.memory_space<semaphore_mem>>)
        %dma_wait3A_28 = tpu.memref_slice %arg3[%add3A_21] : memref<323584xi32, #tpu.memory_space<hbm>> -> memref<128xi32, #tpu.memory_space<hbm>>
        %dma_wait3A_29 = tpu.memref_slice %arg3[%add3A_21] : memref<323584xi32, #tpu.memory_space<hbm>> -> memref<128xi32, #tpu.memory_space<hbm>>
        tpu.wait_dma2 semaphore(%run_scoped3A : memref<!tpu.dma_semaphore, #tpu.memory_space<semaphore_mem>>) src(%dma_wait3A_29 : memref<128xi32, #tpu.memory_space<hbm>>) dst(%arg7 : memref<128xi32, #tpu.memory_space<vmem>>)
        tpu.yield
      }) : () -> ()
      "tpu.region"() ({
        %run_scoped3A = tpu.sem_alloc : memref<!tpu.dma_semaphore, #tpu.memory_space<semaphore_mem>>
        %dma_start3A_26 = tpu.memref_slice %arg4[%add3A_21] : memref<323584xi32, #tpu.memory_space<hbm>> -> memref<128xi32, #tpu.memory_space<hbm>>
        %dma_start3A_27 = tpu.memref_slice %arg4[%add3A_21] : memref<323584xi32, #tpu.memory_space<hbm>> -> memref<128xi32, #tpu.memory_space<hbm>>
        tpu.enqueue_dma source(%dma_start3A_27 : memref<128xi32, #tpu.memory_space<hbm>>) target(%arg8 : memref<128xi32, #tpu.memory_space<vmem>>) target_semaphore(%run_scoped3A : memref<!tpu.dma_semaphore, #tpu.memory_space<semaphore_mem>>)
        %dma_wait3A_28 = tpu.memref_slice %arg4[%add3A_21] : memref<323584xi32, #tpu.memory_space<hbm>> -> memref<128xi32, #tpu.memory_space<hbm>>
        %dma_wait3A_29 = tpu.memref_slice %arg4[%add3A_21] : memref<323584xi32, #tpu.memory_space<hbm>> -> memref<128xi32, #tpu.memory_space<hbm>>
        tpu.wait_dma2 semaphore(%run_scoped3A : memref<!tpu.dma_semaphore, #tpu.memory_space<semaphore_mem>>) src(%dma_wait3A_29 : memref<128xi32, #tpu.memory_space<hbm>>) dst(%arg8 : memref<128xi32, #tpu.memory_space<vmem>>)
        tpu.yield
      }) : () -> ()
      %dma_start3A = arith.constant 0 : i32
      %dma_start3A_22 = arith.constant 0 : i32
      %dma_start3A_23 = tpu.memref_slice %arg2[%dma_start3A, %dma_start3A_22] : memref<10000x128xf32, #tpu.memory_space<hbm>> -> memref<10000x128xf32, #tpu.memory_space<hbm>>
      tpu.enqueue_indirect_dma source(%dma_start3A_23 : memref<10000x128xf32, #tpu.memory_space<hbm>>) target(%arg9 : memref<128x128xf32, #tpu.memory_space<vmem>>) offsets(%arg7 : memref<128xi32, #tpu.memory_space<vmem>>) semaphore(%arg11 : memref<!tpu.dma_semaphore, #tpu.memory_space<semaphore_mem>>)
      %dma_wait3A = arith.constant 0 : i32
      %dma_wait3A_24 = arith.constant 0 : i32
      %dma_wait3A_25 = tpu.memref_slice %arg2[%dma_wait3A, %dma_wait3A_24] : memref<10000x128xf32, #tpu.memory_space<hbm>> -> memref<10000x128xf32, #tpu.memory_space<hbm>>
      tpu.wait_indirect_dma semaphore(%arg11 : memref<!tpu.dma_semaphore, #tpu.memory_space<semaphore_mem>>) src(%dma_wait3A_25 : memref<10000x128xf32, #tpu.memory_space<hbm>>) dst(%arg9 : memref<128x128xf32, #tpu.memory_space<vmem>>)
      "tpu.region"() ({
        %run_scoped3A = tpu.sem_alloc : memref<!tpu.dma_semaphore, #tpu.memory_space<semaphore_mem>>
        %dma_start3A_26 = arith.constant 0 : i32
        %dma_start3A_27 = arith.constant 0 : i32
        %dma_start3A_28 = tpu.memref_slice %arg10[%dma_start3A_26, %dma_start3A_27] : memref<10240x128xf32, #tpu.memory_space<vmem_shared>> -> memref<10240x128xf32, #tpu.memory_space<vmem_shared>>
        tpu.enqueue_indirect_dma source(%arg9 : memref<128x128xf32, #tpu.memory_space<vmem>>) target(%dma_start3A_28 : memref<10240x128xf32, #tpu.memory_space<vmem_shared>>) offsets(%arg8 : memref<128xi32, #tpu.memory_space<vmem>>) semaphore(%run_scoped3A : memref<!tpu.dma_semaphore, #tpu.memory_space<semaphore_mem>>) {add = true}
        %dma_wait3A_29 = arith.constant 0 : i32
        %dma_wait3A_30 = arith.constant 0 : i32
        %dma_wait3A_31 = tpu.memref_slice %arg10[%dma_wait3A_29, %dma_wait3A_30] : memref<10240x128xf32, #tpu.memory_space<vmem_shared>> -> memref<10240x128xf32, #tpu.memory_space<vmem_shared>>
        tpu.wait_indirect_dma semaphore(%run_scoped3A : memref<!tpu.dma_semaphore, #tpu.memory_space<semaphore_mem>>) src(%arg9 : memref<128x128xf32, #tpu.memory_space<vmem>>) dst(%dma_wait3A_31 : memref<10240x128xf32, #tpu.memory_space<vmem_shared>>)
        tpu.yield
      }) : () -> ()
    }
    %scan3A_8 = arith.constant 79 : i32
    %barrier3A_9 = arith.constant 0 : index
    tpu.barrier barrier_id(%barrier3A_9)
    %mul3A_10 = arith.constant 640 : i32
    %mul3A_11 = arith.muli %arg1, %mul3A_10 : i32
    %mul3A_12 = arith.constant 640 : i32
    %mul3A_13 = arith.muli %arg1, %mul3A_12 : i32
    "tpu.region"() ({
      %run_scoped3A = tpu.sem_alloc : memref<!tpu.dma_semaphore, #tpu.memory_space<semaphore_mem>>
      %dma_start3A = arith.constant 0 : i32
      %dma_start3A_14 = tpu.memref_slice %arg6[%arg0, %mul3A_13, %dma_start3A] : memref<2x10240x128xf32, #tpu.memory_space<hbm>> -> memref<1x640x128xf32, #tpu.memory_space<hbm>>
      %dma_start3A_15 = tpu.memref_squeeze %dma_start3A_14 : memref<1x640x128xf32, #tpu.memory_space<hbm>> -> memref<640x128xf32, #tpu.memory_space<hbm>>
      %dma_start3A_16 = arith.constant 0 : i32
      %dma_start3A_17 = tpu.memref_slice %arg10[%mul3A_11, %dma_start3A_16] : memref<10240x128xf32, #tpu.memory_space<vmem_shared>> -> memref<640x128xf32, #tpu.memory_space<vmem_shared>>
      tpu.enqueue_dma source(%dma_start3A_17 : memref<640x128xf32, #tpu.memory_space<vmem_shared>>) target(%dma_start3A_15 : memref<640x128xf32, #tpu.memory_space<hbm>>) target_semaphore(%run_scoped3A : memref<!tpu.dma_semaphore, #tpu.memory_space<semaphore_mem>>)
      %dma_wait3A = arith.constant 0 : i32
      %dma_wait3A_18 = tpu.memref_slice %arg6[%arg0, %mul3A_13, %dma_wait3A] : memref<2x10240x128xf32, #tpu.memory_space<hbm>> -> memref<1x640x128xf32, #tpu.memory_space<hbm>>
      %dma_wait3A_19 = tpu.memref_squeeze %dma_wait3A_18 : memref<1x640x128xf32, #tpu.memory_space<hbm>> -> memref<640x128xf32, #tpu.memory_space<hbm>>
      %dma_wait3A_20 = arith.constant 0 : i32
      %dma_wait3A_21 = tpu.memref_slice %arg10[%mul3A_11, %dma_wait3A_20] : memref<10240x128xf32, #tpu.memory_space<vmem_shared>> -> memref<640x128xf32, #tpu.memory_space<vmem_shared>>
      tpu.wait_dma2 semaphore(%run_scoped3A : memref<!tpu.dma_semaphore, #tpu.memory_space<semaphore_mem>>) src(%dma_wait3A_21 : memref<640x128xf32, #tpu.memory_space<vmem_shared>>) dst(%dma_wait3A_19 : memref<640x128xf32, #tpu.memory_space<hbm>>)
      tpu.yield
    }) : () -> ()
    return
  }
}

#map = affine_map<(d0, d1) -> (0, 0)>
#map1 = affine_map<(d0, d1) -> (0)>
#map2 = affine_map<(d0, d1) -> (0, 0, 0)>
module attributes {stable_mosaic.version = 14 : i64} {
  func.func @k(%arg0: i32, %arg1: i32, %arg2: memref<323584x16xf32, #tpu.memory_space<hbm>>, %arg3: memref<323584xi32, #tpu.memory_space<hbm>>, %arg4: memref<323584xi32, #tpu.memory_space<hbm>>, %arg5: memref<640x16xf32, #tpu.memory_space<hbm>>, %arg6: memref<2x10240x16xf32, #tpu.memory_space<hbm>>, %arg7: memref<2x10240x16xf32, #tpu.memory_space<hbm>>, %arg8: memref<128xi32, #tpu.memory_space<vmem>>, %arg9: memref<128xi32, #tpu.memory_space<vmem>>, %arg10: memref<128x16xf32, #tpu.memory_space<vmem>>, %arg11: memref<128x16xf32, #tpu.memory_space<vmem>>, %arg12: memref<10240x16xf32, #tpu.memory_space<vmem_shared>>, %arg13: memref<10240x16xf32, #tpu.memory_space<vmem_shared>>, %arg14: memref<!tpu.dma_semaphore, #tpu.memory_space<semaphore_mem>>) attributes {dimension_semantics = [#tpu.dimension_semantics<core_parallel>, #tpu.dimension_semantics<subcore_parallel>], iteration_bounds = array<i64: 2, 16>, scalar_prefetch = 0 : i64, scratch_operands = 7 : i64, tpu.core_type = #tpu.core_type<sc_vector_subcore>, window_params = [{transform_indices = #map}, {transform_indices = #map1}, {transform_indices = #map1}, {transform_indices = #map}, {transform_indices = #map2}, {transform_indices = #map2}]} {
    %mul3A = arith.constant 16 : i32
    %mul3A_0 = arith.muli %arg0, %mul3A : i32
    %add3A = arith.addi %mul3A_0, %arg1 : i32
    %scan3A = arith.constant 0 : i32
    %scan3A_1 = arith.constant 128 : i32
    %scan3A_2 = arith.addi %scan3A, %scan3A_1 : i32
    %scan3A_3 = arith.constant 1 : i32
    scf.for %scan3A_25 = %scan3A to %scan3A_2 step %scan3A_3  : i32 {
      %mul3A_26 = arith.constant 1 : i32
      %mul3A_27 = arith.muli %scan3A_25, %mul3A_26 : i32
      %add3A_28 = arith.constant 0 : i32
      %add3A_29 = arith.addi %add3A_28, %mul3A_27 : i32
      %broadcast_in_dim3A = arith.constant 1.000000e+00 : f32
      %broadcast_in_dim3A_30 = vector.broadcast %broadcast_in_dim3A : f32 to vector<16xf32>
      %swap3A = arith.index_cast %add3A_29 : i32 to index
      %swap3A_31 = arith.constant 0 : index
      %swap3A_32 = tpu.vector_load %arg11[%swap3A, %swap3A_31] {strides = array<i32>} : memref<128x16xf32, #tpu.memory_space<vmem>>, vector<1x16xf32>,
      %swap3A_33 = vector.shape_cast %swap3A_32 : vector<1x16xf32> to vector<16xf32>
      %swap3A_34 = vector.shape_cast %broadcast_in_dim3A_30 : vector<16xf32> to vector<1x16xf32>
      tpu.vector_store %arg11[%swap3A, %swap3A_31], %swap3A_34 {strides = array<i32>} : memref<128x16xf32, #tpu.memory_space<vmem>>, vector<1x16xf32>,
    }
    %scan3A_4 = arith.constant 128 : i32
    %mul3A_5 = arith.constant 640 : i32
    %mul3A_6 = arith.muli %arg1, %mul3A_5 : i32
    "tpu.region"() ({
      %run_scoped3A = tpu.sem_alloc : memref<!tpu.dma_semaphore, #tpu.memory_space<semaphore_mem>>
      %dma_start3A = arith.constant 0 : i32
      %dma_start3A_25 = tpu.memref_slice %arg12[%mul3A_6, %dma_start3A] : memref<10240x16xf32, #tpu.memory_space<vmem_shared>> -> memref<640x16xf32, #tpu.memory_space<vmem_shared>>
      tpu.enqueue_dma source(%arg5 : memref<640x16xf32, #tpu.memory_space<hbm>>) target(%dma_start3A_25 : memref<640x16xf32, #tpu.memory_space<vmem_shared>>) target_semaphore(%run_scoped3A : memref<!tpu.dma_semaphore, #tpu.memory_space<semaphore_mem>>)
      %dma_wait3A = arith.constant 0 : i32
      %dma_wait3A_26 = tpu.memref_slice %arg12[%mul3A_6, %dma_wait3A] : memref<10240x16xf32, #tpu.memory_space<vmem_shared>> -> memref<640x16xf32, #tpu.memory_space<vmem_shared>>
      tpu.wait_dma2 semaphore(%run_scoped3A : memref<!tpu.dma_semaphore, #tpu.memory_space<semaphore_mem>>) src(%arg5 : memref<640x16xf32, #tpu.memory_space<hbm>>) dst(%dma_wait3A_26 : memref<640x16xf32, #tpu.memory_space<vmem_shared>>)
      tpu.yield
    }) : () -> ()
    %mul3A_7 = arith.constant 640 : i32
    %mul3A_8 = arith.muli %arg1, %mul3A_7 : i32
    "tpu.region"() ({
      %run_scoped3A = tpu.sem_alloc : memref<!tpu.dma_semaphore, #tpu.memory_space<semaphore_mem>>
      %dma_start3A = arith.constant 0 : i32
      %dma_start3A_25 = tpu.memref_slice %arg13[%mul3A_8, %dma_start3A] : memref<10240x16xf32, #tpu.memory_space<vmem_shared>> -> memref<640x16xf32, #tpu.memory_space<vmem_shared>>
      tpu.enqueue_dma source(%arg5 : memref<640x16xf32, #tpu.memory_space<hbm>>) target(%dma_start3A_25 : memref<640x16xf32, #tpu.memory_space<vmem_shared>>) target_semaphore(%run_scoped3A : memref<!tpu.dma_semaphore, #tpu.memory_space<semaphore_mem>>)
      %dma_wait3A = arith.constant 0 : i32
      %dma_wait3A_26 = tpu.memref_slice %arg13[%mul3A_8, %dma_wait3A] : memref<10240x16xf32, #tpu.memory_space<vmem_shared>> -> memref<640x16xf32, #tpu.memory_space<vmem_shared>>
      tpu.wait_dma2 semaphore(%run_scoped3A : memref<!tpu.dma_semaphore, #tpu.memory_space<semaphore_mem>>) src(%arg5 : memref<640x16xf32, #tpu.memory_space<hbm>>) dst(%dma_wait3A_26 : memref<640x16xf32, #tpu.memory_space<vmem_shared>>)
      tpu.yield
    }) : () -> ()
    %barrier3A = arith.constant 0 : index
    tpu.barrier barrier_id(%barrier3A)
    %mul3A_9 = arith.constant 10112 : i32
    %mul3A_10 = arith.muli %add3A, %mul3A_9 : i32
    %scan3A_11 = arith.constant 0 : i32
    %scan3A_12 = arith.constant 79 : i32
    %scan3A_13 = arith.addi %scan3A_11, %scan3A_12 : i32
    %scan3A_14 = arith.constant 1 : i32
    scf.for %scan3A_25 = %scan3A_11 to %scan3A_13 step %scan3A_14  : i32 {
      %mul3A_26 = arith.constant 1 : i32
      %mul3A_27 = arith.muli %scan3A_25, %mul3A_26 : i32
      %add3A_28 = arith.constant 0 : i32
      %add3A_29 = arith.addi %add3A_28, %mul3A_27 : i32
      %mul3A_30 = arith.constant 128 : i32
      %mul3A_31 = arith.muli %add3A_29, %mul3A_30 : i32
      %add3A_32 = arith.addi %mul3A_10, %mul3A_31 : i32
      "tpu.region"() ({
        %run_scoped3A = tpu.sem_alloc : memref<!tpu.dma_semaphore, #tpu.memory_space<semaphore_mem>>
        %dma_start3A_39 = tpu.memref_slice %arg3[%add3A_32] : memref<323584xi32, #tpu.memory_space<hbm>> -> memref<128xi32, #tpu.memory_space<hbm>>
        %dma_start3A_40 = tpu.memref_slice %arg3[%add3A_32] : memref<323584xi32, #tpu.memory_space<hbm>> -> memref<128xi32, #tpu.memory_space<hbm>>
        tpu.enqueue_dma source(%dma_start3A_40 : memref<128xi32, #tpu.memory_space<hbm>>) target(%arg8 : memref<128xi32, #tpu.memory_space<vmem>>) target_semaphore(%run_scoped3A : memref<!tpu.dma_semaphore, #tpu.memory_space<semaphore_mem>>)
        %dma_wait3A_41 = tpu.memref_slice %arg3[%add3A_32] : memref<323584xi32, #tpu.memory_space<hbm>> -> memref<128xi32, #tpu.memory_space<hbm>>
        %dma_wait3A_42 = tpu.memref_slice %arg3[%add3A_32] : memref<323584xi32, #tpu.memory_space<hbm>> -> memref<128xi32, #tpu.memory_space<hbm>>
        tpu.wait_dma2 semaphore(%run_scoped3A : memref<!tpu.dma_semaphore, #tpu.memory_space<semaphore_mem>>) src(%dma_wait3A_42 : memref<128xi32, #tpu.memory_space<hbm>>) dst(%arg8 : memref<128xi32, #tpu.memory_space<vmem>>)
        tpu.yield
      }) : () -> ()
      "tpu.region"() ({
        %run_scoped3A = tpu.sem_alloc : memref<!tpu.dma_semaphore, #tpu.memory_space<semaphore_mem>>
        %dma_start3A_39 = tpu.memref_slice %arg4[%add3A_32] : memref<323584xi32, #tpu.memory_space<hbm>> -> memref<128xi32, #tpu.memory_space<hbm>>
        %dma_start3A_40 = tpu.memref_slice %arg4[%add3A_32] : memref<323584xi32, #tpu.memory_space<hbm>> -> memref<128xi32, #tpu.memory_space<hbm>>
        tpu.enqueue_dma source(%dma_start3A_40 : memref<128xi32, #tpu.memory_space<hbm>>) target(%arg9 : memref<128xi32, #tpu.memory_space<vmem>>) target_semaphore(%run_scoped3A : memref<!tpu.dma_semaphore, #tpu.memory_space<semaphore_mem>>)
        %dma_wait3A_41 = tpu.memref_slice %arg4[%add3A_32] : memref<323584xi32, #tpu.memory_space<hbm>> -> memref<128xi32, #tpu.memory_space<hbm>>
        %dma_wait3A_42 = tpu.memref_slice %arg4[%add3A_32] : memref<323584xi32, #tpu.memory_space<hbm>> -> memref<128xi32, #tpu.memory_space<hbm>>
        tpu.wait_dma2 semaphore(%run_scoped3A : memref<!tpu.dma_semaphore, #tpu.memory_space<semaphore_mem>>) src(%dma_wait3A_42 : memref<128xi32, #tpu.memory_space<hbm>>) dst(%arg9 : memref<128xi32, #tpu.memory_space<vmem>>)
        tpu.yield
      }) : () -> ()
      %dma_start3A = arith.constant 0 : i32
      %dma_start3A_33 = tpu.memref_slice %arg2[%add3A_32, %dma_start3A] : memref<323584x16xf32, #tpu.memory_space<hbm>> -> memref<128x16xf32, #tpu.memory_space<hbm>>
      %dma_start3A_34 = arith.constant 0 : i32
      %dma_start3A_35 = tpu.memref_slice %arg2[%add3A_32, %dma_start3A_34] : memref<323584x16xf32, #tpu.memory_space<hbm>> -> memref<128x16xf32, #tpu.memory_space<hbm>>
      tpu.enqueue_dma source(%dma_start3A_35 : memref<128x16xf32, #tpu.memory_space<hbm>>) target(%arg10 : memref<128x16xf32, #tpu.memory_space<vmem>>) target_semaphore(%arg14 : memref<!tpu.dma_semaphore, #tpu.memory_space<semaphore_mem>>)
      %dma_wait3A = arith.constant 0 : i32
      %dma_wait3A_36 = tpu.memref_slice %arg2[%add3A_32, %dma_wait3A] : memref<323584x16xf32, #tpu.memory_space<hbm>> -> memref<128x16xf32, #tpu.memory_space<hbm>>
      %dma_wait3A_37 = arith.constant 0 : i32
      %dma_wait3A_38 = tpu.memref_slice %arg2[%add3A_32, %dma_wait3A_37] : memref<323584x16xf32, #tpu.memory_space<hbm>> -> memref<128x16xf32, #tpu.memory_space<hbm>>
      tpu.wait_dma2 semaphore(%arg14 : memref<!tpu.dma_semaphore, #tpu.memory_space<semaphore_mem>>) src(%dma_wait3A_38 : memref<128x16xf32, #tpu.memory_space<hbm>>) dst(%arg10 : memref<128x16xf32, #tpu.memory_space<vmem>>)
      "tpu.region"() ({
        %run_scoped3A = tpu.sem_alloc : memref<!tpu.dma_semaphore, #tpu.memory_space<semaphore_mem>>
        %dma_start3A_39 = arith.constant 0 : i32
        %dma_start3A_40 = arith.constant 0 : i32
        %dma_start3A_41 = tpu.memref_slice %arg12[%dma_start3A_39, %dma_start3A_40] : memref<10240x16xf32, #tpu.memory_space<vmem_shared>> -> memref<10240x16xf32, #tpu.memory_space<vmem_shared>>
        tpu.enqueue_indirect_dma source(%arg10 : memref<128x16xf32, #tpu.memory_space<vmem>>) target(%dma_start3A_41 : memref<10240x16xf32, #tpu.memory_space<vmem_shared>>) offsets(%arg8 : memref<128xi32, #tpu.memory_space<vmem>>) semaphore(%run_scoped3A : memref<!tpu.dma_semaphore, #tpu.memory_space<semaphore_mem>>) {add = true}
        %dma_wait3A_42 = arith.constant 0 : i32
        %dma_wait3A_43 = arith.constant 0 : i32
        %dma_wait3A_44 = tpu.memref_slice %arg12[%dma_wait3A_42, %dma_wait3A_43] : memref<10240x16xf32, #tpu.memory_space<vmem_shared>> -> memref<10240x16xf32, #tpu.memory_space<vmem_shared>>
        tpu.wait_indirect_dma semaphore(%run_scoped3A : memref<!tpu.dma_semaphore, #tpu.memory_space<semaphore_mem>>) src(%arg10 : memref<128x16xf32, #tpu.memory_space<vmem>>) dst(%dma_wait3A_44 : memref<10240x16xf32, #tpu.memory_space<vmem_shared>>)
        tpu.yield
      }) : () -> ()
      "tpu.region"() ({
        %run_scoped3A = tpu.sem_alloc : memref<!tpu.dma_semaphore, #tpu.memory_space<semaphore_mem>>
        %dma_start3A_39 = arith.constant 0 : i32
        %dma_start3A_40 = arith.constant 0 : i32
        %dma_start3A_41 = tpu.memref_slice %arg12[%dma_start3A_39, %dma_start3A_40] : memref<10240x16xf32, #tpu.memory_space<vmem_shared>> -> memref<10240x16xf32, #tpu.memory_space<vmem_shared>>
        tpu.enqueue_indirect_dma source(%arg10 : memref<128x16xf32, #tpu.memory_space<vmem>>) target(%dma_start3A_41 : memref<10240x16xf32, #tpu.memory_space<vmem_shared>>) offsets(%arg9 : memref<128xi32, #tpu.memory_space<vmem>>) semaphore(%run_scoped3A : memref<!tpu.dma_semaphore, #tpu.memory_space<semaphore_mem>>) {add = true}
        %dma_wait3A_42 = arith.constant 0 : i32
        %dma_wait3A_43 = arith.constant 0 : i32
        %dma_wait3A_44 = tpu.memref_slice %arg12[%dma_wait3A_42, %dma_wait3A_43] : memref<10240x16xf32, #tpu.memory_space<vmem_shared>> -> memref<10240x16xf32, #tpu.memory_space<vmem_shared>>
        tpu.wait_indirect_dma semaphore(%run_scoped3A : memref<!tpu.dma_semaphore, #tpu.memory_space<semaphore_mem>>) src(%arg10 : memref<128x16xf32, #tpu.memory_space<vmem>>) dst(%dma_wait3A_44 : memref<10240x16xf32, #tpu.memory_space<vmem_shared>>)
        tpu.yield
      }) : () -> ()
      "tpu.region"() ({
        %run_scoped3A = tpu.sem_alloc : memref<!tpu.dma_semaphore, #tpu.memory_space<semaphore_mem>>
        %dma_start3A_39 = arith.constant 0 : i32
        %dma_start3A_40 = arith.constant 0 : i32
        %dma_start3A_41 = tpu.memref_slice %arg13[%dma_start3A_39, %dma_start3A_40] : memref<10240x16xf32, #tpu.memory_space<vmem_shared>> -> memref<10240x16xf32, #tpu.memory_space<vmem_shared>>
        tpu.enqueue_indirect_dma source(%arg11 : memref<128x16xf32, #tpu.memory_space<vmem>>) target(%dma_start3A_41 : memref<10240x16xf32, #tpu.memory_space<vmem_shared>>) offsets(%arg9 : memref<128xi32, #tpu.memory_space<vmem>>) semaphore(%run_scoped3A : memref<!tpu.dma_semaphore, #tpu.memory_space<semaphore_mem>>) {add = true}
        %dma_wait3A_42 = arith.constant 0 : i32
        %dma_wait3A_43 = arith.constant 0 : i32
        %dma_wait3A_44 = tpu.memref_slice %arg13[%dma_wait3A_42, %dma_wait3A_43] : memref<10240x16xf32, #tpu.memory_space<vmem_shared>> -> memref<10240x16xf32, #tpu.memory_space<vmem_shared>>
        tpu.wait_indirect_dma semaphore(%run_scoped3A : memref<!tpu.dma_semaphore, #tpu.memory_space<semaphore_mem>>) src(%arg11 : memref<128x16xf32, #tpu.memory_space<vmem>>) dst(%dma_wait3A_44 : memref<10240x16xf32, #tpu.memory_space<vmem_shared>>)
        tpu.yield
      }) : () -> ()
    }
    %scan3A_15 = arith.constant 79 : i32
    %barrier3A_16 = arith.constant 0 : index
    tpu.barrier barrier_id(%barrier3A_16)
    %mul3A_17 = arith.constant 640 : i32
    %mul3A_18 = arith.muli %arg1, %mul3A_17 : i32
    %mul3A_19 = arith.constant 640 : i32
    %mul3A_20 = arith.muli %arg1, %mul3A_19 : i32
    "tpu.region"() ({
      %run_scoped3A = tpu.sem_alloc : memref<!tpu.dma_semaphore, #tpu.memory_space<semaphore_mem>>
      %dma_start3A = arith.constant 0 : i32
      %dma_start3A_25 = tpu.memref_slice %arg6[%arg0, %mul3A_20, %dma_start3A] : memref<2x10240x16xf32, #tpu.memory_space<hbm>> -> memref<1x640x16xf32, #tpu.memory_space<hbm>>
      %dma_start3A_26 = tpu.memref_squeeze %dma_start3A_25 : memref<1x640x16xf32, #tpu.memory_space<hbm>> -> memref<640x16xf32, #tpu.memory_space<hbm>>
      %dma_start3A_27 = arith.constant 0 : i32
      %dma_start3A_28 = tpu.memref_slice %arg12[%mul3A_18, %dma_start3A_27] : memref<10240x16xf32, #tpu.memory_space<vmem_shared>> -> memref<640x16xf32, #tpu.memory_space<vmem_shared>>
      tpu.enqueue_dma source(%dma_start3A_28 : memref<640x16xf32, #tpu.memory_space<vmem_shared>>) target(%dma_start3A_26 : memref<640x16xf32, #tpu.memory_space<hbm>>) target_semaphore(%run_scoped3A : memref<!tpu.dma_semaphore, #tpu.memory_space<semaphore_mem>>)
      %dma_wait3A = arith.constant 0 : i32
      %dma_wait3A_29 = tpu.memref_slice %arg6[%arg0, %mul3A_20, %dma_wait3A] : memref<2x10240x16xf32, #tpu.memory_space<hbm>> -> memref<1x640x16xf32, #tpu.memory_space<hbm>>
      %dma_wait3A_30 = tpu.memref_squeeze %dma_wait3A_29 : memref<1x640x16xf32, #tpu.memory_space<hbm>> -> memref<640x16xf32, #tpu.memory_space<hbm>>
      %dma_wait3A_31 = arith.constant 0 : i32
      %dma_wait3A_32 = tpu.memref_slice %arg12[%mul3A_18, %dma_wait3A_31] : memref<10240x16xf32, #tpu.memory_space<vmem_shared>> -> memref<640x16xf32, #tpu.memory_space<vmem_shared>>
      tpu.wait_dma2 semaphore(%run_scoped3A : memref<!tpu.dma_semaphore, #tpu.memory_space<semaphore_mem>>) src(%dma_wait3A_32 : memref<640x16xf32, #tpu.memory_space<vmem_shared>>) dst(%dma_wait3A_30 : memref<640x16xf32, #tpu.memory_space<hbm>>)
      tpu.yield
    }) : () -> ()
    %mul3A_21 = arith.constant 640 : i32
    %mul3A_22 = arith.muli %arg1, %mul3A_21 : i32
    %mul3A_23 = arith.constant 640 : i32
    %mul3A_24 = arith.muli %arg1, %mul3A_23 : i32
    "tpu.region"() ({
      %run_scoped3A = tpu.sem_alloc : memref<!tpu.dma_semaphore, #tpu.memory_space<semaphore_mem>>
      %dma_start3A = arith.constant 0 : i32
      %dma_start3A_25 = tpu.memref_slice %arg7[%arg0, %mul3A_24, %dma_start3A] : memref<2x10240x16xf32, #tpu.memory_space<hbm>> -> memref<1x640x16xf32, #tpu.memory_space<hbm>>
      %dma_start3A_26 = tpu.memref_squeeze %dma_start3A_25 : memref<1x640x16xf32, #tpu.memory_space<hbm>> -> memref<640x16xf32, #tpu.memory_space<hbm>>
      %dma_start3A_27 = arith.constant 0 : i32
      %dma_start3A_28 = tpu.memref_slice %arg13[%mul3A_22, %dma_start3A_27] : memref<10240x16xf32, #tpu.memory_space<vmem_shared>> -> memref<640x16xf32, #tpu.memory_space<vmem_shared>>
      tpu.enqueue_dma source(%dma_start3A_28 : memref<640x16xf32, #tpu.memory_space<vmem_shared>>) target(%dma_start3A_26 : memref<640x16xf32, #tpu.memory_space<hbm>>) target_semaphore(%run_scoped3A : memref<!tpu.dma_semaphore, #tpu.memory_space<semaphore_mem>>)
      %dma_wait3A = arith.constant 0 : i32
      %dma_wait3A_29 = tpu.memref_slice %arg7[%arg0, %mul3A_24, %dma_wait3A] : memref<2x10240x16xf32, #tpu.memory_space<hbm>> -> memref<1x640x16xf32, #tpu.memory_space<hbm>>
      %dma_wait3A_30 = tpu.memref_squeeze %dma_wait3A_29 : memref<1x640x16xf32, #tpu.memory_space<hbm>> -> memref<640x16xf32, #tpu.memory_space<hbm>>
      %dma_wait3A_31 = arith.constant 0 : i32
      %dma_wait3A_32 = tpu.memref_slice %arg13[%mul3A_22, %dma_wait3A_31] : memref<10240x16xf32, #tpu.memory_space<vmem_shared>> -> memref<640x16xf32, #tpu.memory_space<vmem_shared>>
      tpu.wait_dma2 semaphore(%run_scoped3A : memref<!tpu.dma_semaphore, #tpu.memory_space<semaphore_mem>>) src(%dma_wait3A_32 : memref<640x16xf32, #tpu.memory_space<vmem_shared>>) dst(%dma_wait3A_30 : memref<640x16xf32, #tpu.memory_space<hbm>>)
      tpu.yield
    }) : () -> ()
    return
  }
}

module attributes {stable_mosaic.version = 14 : i64} {
  func.func @body(%arg0: memref<10000x128xf32, #tpu.memory_space<vmem>>, %arg1: memref<128x128xf32, #tpu.memory_space<vmem>>, %arg2: memref<10000x128xf32, #tpu.memory_space<vmem>>) attributes {dimension_semantics = [], scalar_prefetch = 0 : i64, scratch_operands = 0 : i64, tpu.core_type = #tpu.core_type<tc>} {
    %get3A = arith.constant 0 : index
    %get3A_0 = arith.constant 0 : index
    %get3A_1 = vector.load %arg0[%get3A, %get3A_0] : memref<10000x128xf32, #tpu.memory_space<vmem>>, vector<10000x128xf32>
    %get3A_2 = arith.constant 0 : index
    %get3A_3 = arith.constant 0 : index
    %get3A_4 = vector.load %arg1[%get3A_2, %get3A_3] : memref<128x128xf32, #tpu.memory_space<vmem>>, vector<128x128xf32>
    %dot_general3A = arith.constant dense<0.000000e+00> : vector<10000x128xf32>
    %dot_general3A_5 = tpu.matmul %get3A_1, %get3A_4, %dot_general3A {dimension_numbers = #tpu.dot_dimension_numbers<[1], [0], [0], [1], [0, 0, 1, 1], [], []>, transpose_lhs_hint = false} : vector<10000x128xf32>, vector<128x128xf32>, vector<10000x128xf32> -> vector<10000x128xf32>
    %swap3A = arith.constant 0 : index
    %swap3A_6 = arith.constant 0 : index
    %swap3A_7 = vector.load %arg2[%swap3A, %swap3A_6] : memref<10000x128xf32, #tpu.memory_space<vmem>>, vector<10000x128xf32>
    tpu.vector_store %arg2[%swap3A, %swap3A_6], %dot_general3A_5 {strides = array<i32>} : memref<10000x128xf32, #tpu.memory_space<vmem>>, vector<10000x128xf32>,
    return
  }
}

module attributes {stable_mosaic.version = 14 : i64} {
  func.func @body(%arg0: memref<10000x128xf32, #tpu.memory_space<vmem>>, %arg1: memref<2x10240x16xf32, #tpu.memory_space<vmem>>, %arg2: memref<2x10240x16xf32, #tpu.memory_space<vmem>>, %arg3: memref<10000x128xf32, #tpu.memory_space<vmem>>, %arg4: memref<10000x1xf32, #tpu.memory_space<vmem>>, %arg5: memref<10000x16xf32, #tpu.memory_space<vmem>>) attributes {dimension_semantics = [], scalar_prefetch = 0 : i64, scratch_operands = 0 : i64, tpu.core_type = #tpu.core_type<tc>} {
    %get3A = arith.constant 0 : index
    %get3A_0 = arith.constant 0 : index
    %get3A_1 = arith.constant 0 : index
    %get3A_2 = vector.load %arg2[%get3A, %get3A_0, %get3A_1] : memref<2x10240x16xf32, #tpu.memory_space<vmem>>, vector<1x10000x1xf32>
    %get3A_3 = vector.shape_cast %get3A_2 : vector<1x10000x1xf32> to vector<10000x1xf32>
    %get3A_4 = arith.constant 1 : index
    %get3A_5 = arith.constant 0 : index
    %get3A_6 = arith.constant 0 : index
    %get3A_7 = vector.load %arg2[%get3A_4, %get3A_5, %get3A_6] : memref<2x10240x16xf32, #tpu.memory_space<vmem>>, vector<1x10000x1xf32>
    %get3A_8 = vector.shape_cast %get3A_7 : vector<1x10000x1xf32> to vector<10000x1xf32>
    %add3A = arith.addf %get3A_3, %get3A_8 : vector<10000x1xf32>
    %add3A_9 = arith.constant 1.000000e+00 : f32
    %add3A_10 = vector.broadcast %add3A_9 : f32 to vector<10000x1xf32>
    %add3A_11 = arith.addf %add3A, %add3A_10 : vector<10000x1xf32>
    %rsqrt3A = math.rsqrt %add3A_11 : vector<10000x1xf32>
    %get3A_12 = arith.constant 0 : index
    %get3A_13 = arith.constant 0 : index
    %get3A_14 = vector.load %arg0[%get3A_12, %get3A_13] : memref<10000x128xf32, #tpu.memory_space<vmem>>, vector<10000x128xf32>
    %mul3A = vector.broadcast %rsqrt3A : vector<10000x1xf32> to vector<10000x128xf32>
    %mul3A_15 = arith.mulf %get3A_14, %mul3A : vector<10000x128xf32>
    %swap3A = arith.constant 0 : index
    %swap3A_16 = arith.constant 0 : index
    %swap3A_17 = vector.load %arg3[%swap3A, %swap3A_16] : memref<10000x128xf32, #tpu.memory_space<vmem>>, vector<10000x128xf32>
    tpu.vector_store %arg3[%swap3A, %swap3A_16], %mul3A_15 {strides = array<i32>} : memref<10000x128xf32, #tpu.memory_space<vmem>>, vector<10000x128xf32>,
    %swap3A_18 = arith.constant 0 : index
    %swap3A_19 = arith.constant 0 : index
    %swap3A_20 = vector.load %arg4[%swap3A_18, %swap3A_19] : memref<10000x1xf32, #tpu.memory_space<vmem>>, vector<10000x1xf32>
    tpu.vector_store %arg4[%swap3A_18, %swap3A_19], %rsqrt3A {strides = array<i32>} : memref<10000x1xf32, #tpu.memory_space<vmem>>, vector<10000x1xf32>,
    %get3A_21 = arith.constant 0 : index
    %get3A_22 = arith.constant 0 : index
    %get3A_23 = arith.constant 0 : index
    %get3A_24 = vector.load %arg1[%get3A_21, %get3A_22, %get3A_23] : memref<2x10240x16xf32, #tpu.memory_space<vmem>>, vector<1x10000x16xf32>
    %get3A_25 = vector.shape_cast %get3A_24 : vector<1x10000x16xf32> to vector<10000x16xf32>
    %get3A_26 = arith.constant 1 : index
    %get3A_27 = arith.constant 0 : index
    %get3A_28 = arith.constant 0 : index
    %get3A_29 = vector.load %arg1[%get3A_26, %get3A_27, %get3A_28] : memref<2x10240x16xf32, #tpu.memory_space<vmem>>, vector<1x10000x16xf32>
    %get3A_30 = vector.shape_cast %get3A_29 : vector<1x10000x16xf32> to vector<10000x16xf32>
    %add3A_31 = arith.addf %get3A_25, %get3A_30 : vector<10000x16xf32>
    %swap3A_32 = arith.constant 0 : index
    %swap3A_33 = arith.constant 0 : index
    %swap3A_34 = vector.load %arg5[%swap3A_32, %swap3A_33] : memref<10000x16xf32, #tpu.memory_space<vmem>>, vector<10000x16xf32>
    tpu.vector_store %arg5[%swap3A_32, %swap3A_33], %add3A_31 {strides = array<i32>} : memref<10000x16xf32, #tpu.memory_space<vmem>>, vector<10000x16xf32>,
    return
  }
}

module attributes {stable_mosaic.version = 14 : i64} {
  func.func @body(%arg0: memref<2x10240x128xf32, #tpu.memory_space<vmem>>, %arg1: memref<10000x128xf32, #tpu.memory_space<vmem>>, %arg2: memref<10000x1xf32, #tpu.memory_space<vmem>>, %arg3: memref<128x128xf32, #tpu.memory_space<vmem>>, %arg4: memref<1x128xf32, #tpu.memory_space<vmem>>, %arg5: memref<10000x128xf32, #tpu.memory_space<vmem>>) attributes {dimension_semantics = [], scalar_prefetch = 0 : i64, scratch_operands = 0 : i64, tpu.core_type = #tpu.core_type<tc>} {
    %get3A = arith.constant 0 : index
    %get3A_0 = arith.constant 0 : index
    %get3A_1 = vector.load %arg2[%get3A, %get3A_0] : memref<10000x1xf32, #tpu.memory_space<vmem>>, vector<10000x1xf32>
    %get3A_2 = arith.constant 0 : index
    %get3A_3 = arith.constant 0 : index
    %get3A_4 = arith.constant 0 : index
    %get3A_5 = vector.load %arg0[%get3A_2, %get3A_3, %get3A_4] : memref<2x10240x128xf32, #tpu.memory_space<vmem>>, vector<1x10000x128xf32>
    %get3A_6 = vector.shape_cast %get3A_5 : vector<1x10000x128xf32> to vector<10000x128xf32>
    %get3A_7 = arith.constant 1 : index
    %get3A_8 = arith.constant 0 : index
    %get3A_9 = arith.constant 0 : index
    %get3A_10 = vector.load %arg0[%get3A_7, %get3A_8, %get3A_9] : memref<2x10240x128xf32, #tpu.memory_space<vmem>>, vector<1x10000x128xf32>
    %get3A_11 = vector.shape_cast %get3A_10 : vector<1x10000x128xf32> to vector<10000x128xf32>
    %add3A = arith.addf %get3A_6, %get3A_11 : vector<10000x128xf32>
    %get3A_12 = arith.constant 0 : index
    %get3A_13 = arith.constant 0 : index
    %get3A_14 = vector.load %arg1[%get3A_12, %get3A_13] : memref<10000x128xf32, #tpu.memory_space<vmem>>, vector<10000x128xf32>
    %add3A_15 = arith.addf %add3A, %get3A_14 : vector<10000x128xf32>
    %mul3A = vector.broadcast %get3A_1 : vector<10000x1xf32> to vector<10000x128xf32>
    %mul3A_16 = arith.mulf %mul3A, %add3A_15 : vector<10000x128xf32>
    %get3A_17 = arith.constant 0 : index
    %get3A_18 = arith.constant 0 : index
    %get3A_19 = vector.load %arg4[%get3A_17, %get3A_18] : memref<1x128xf32, #tpu.memory_space<vmem>>, vector<1x128xf32>
    %add3A_20 = vector.broadcast %get3A_19 : vector<1x128xf32> to vector<10000x128xf32>
    %add3A_21 = arith.addf %mul3A_16, %add3A_20 : vector<10000x128xf32>
    %max3A = arith.constant 0.000000e+00 : f32
    %max3A_22 = vector.broadcast %max3A : f32 to vector<10000x128xf32>
    %max3A_23 = arith.maximumf %add3A_21, %max3A_22 : vector<10000x128xf32>
    %get3A_24 = arith.constant 0 : index
    %get3A_25 = arith.constant 0 : index
    %get3A_26 = vector.load %arg3[%get3A_24, %get3A_25] : memref<128x128xf32, #tpu.memory_space<vmem>>, vector<128x128xf32>
    %dot_general3A = arith.constant dense<0.000000e+00> : vector<10000x128xf32>
    %dot_general3A_27 = tpu.matmul %max3A_23, %get3A_26, %dot_general3A {dimension_numbers = #tpu.dot_dimension_numbers<[1], [0], [0], [1], [0, 0, 1, 1], [], []>, transpose_lhs_hint = false} : vector<10000x128xf32>, vector<128x128xf32>, vector<10000x128xf32> -> vector<10000x128xf32>
    %mul3A_28 = vector.broadcast %get3A_1 : vector<10000x1xf32> to vector<10000x128xf32>
    %mul3A_29 = arith.mulf %dot_general3A_27, %mul3A_28 : vector<10000x128xf32>
    %swap3A = arith.constant 0 : index
    %swap3A_30 = arith.constant 0 : index
    %swap3A_31 = vector.load %arg5[%swap3A, %swap3A_30] : memref<10000x128xf32, #tpu.memory_space<vmem>>, vector<10000x128xf32>
    tpu.vector_store %arg5[%swap3A, %swap3A_30], %mul3A_29 {strides = array<i32>} : memref<10000x128xf32, #tpu.memory_space<vmem>>, vector<10000x128xf32>,
    return
  }
}

module attributes {stable_mosaic.version = 14 : i64} {
  func.func @body(%arg0: memref<2x10240x128xf32, #tpu.memory_space<vmem>>, %arg1: memref<10000x128xf32, #tpu.memory_space<vmem>>, %arg2: memref<10000x1xf32, #tpu.memory_space<vmem>>, %arg3: memref<1x128xf32, #tpu.memory_space<vmem>>, %arg4: memref<10000x16xf32, #tpu.memory_space<vmem>>, %arg5: memref<1x10000xi32, #tpu.memory_space<vmem>>, %arg6: memref<144x1xf32, #tpu.memory_space<vmem>>, %arg7: memref<1x1xf32, #tpu.memory_space<vmem>>, %arg8: memref<64x1xf32, #tpu.memory_space<vmem>>) attributes {dimension_semantics = [], scalar_prefetch = 0 : i64, scratch_operands = 0 : i64, tpu.core_type = #tpu.core_type<tc>} {
    %get3A = arith.constant 0 : index
    %get3A_0 = arith.constant 0 : index
    %get3A_1 = arith.constant 0 : index
    %get3A_2 = vector.load %arg0[%get3A, %get3A_0, %get3A_1] : memref<2x10240x128xf32, #tpu.memory_space<vmem>>, vector<1x10000x128xf32>
    %get3A_3 = vector.shape_cast %get3A_2 : vector<1x10000x128xf32> to vector<10000x128xf32>
    %get3A_4 = arith.constant 1 : index
    %get3A_5 = arith.constant 0 : index
    %get3A_6 = arith.constant 0 : index
    %get3A_7 = vector.load %arg0[%get3A_4, %get3A_5, %get3A_6] : memref<2x10240x128xf32, #tpu.memory_space<vmem>>, vector<1x10000x128xf32>
    %get3A_8 = vector.shape_cast %get3A_7 : vector<1x10000x128xf32> to vector<10000x128xf32>
    %add3A = arith.addf %get3A_3, %get3A_8 : vector<10000x128xf32>
    %get3A_9 = arith.constant 0 : index
    %get3A_10 = arith.constant 0 : index
    %get3A_11 = vector.load %arg1[%get3A_9, %get3A_10] : memref<10000x128xf32, #tpu.memory_space<vmem>>, vector<10000x128xf32>
    %add3A_12 = arith.addf %add3A, %get3A_11 : vector<10000x128xf32>
    %get3A_13 = arith.constant 0 : index
    %get3A_14 = arith.constant 0 : index
    %get3A_15 = vector.load %arg2[%get3A_13, %get3A_14] : memref<10000x1xf32, #tpu.memory_space<vmem>>, vector<10000x1xf32>
    %mul3A = vector.broadcast %get3A_15 : vector<10000x1xf32> to vector<10000x128xf32>
    %mul3A_16 = arith.mulf %mul3A, %add3A_12 : vector<10000x128xf32>
    %get3A_17 = arith.constant 0 : index
    %get3A_18 = arith.constant 0 : index
    %get3A_19 = vector.load %arg3[%get3A_17, %get3A_18] : memref<1x128xf32, #tpu.memory_space<vmem>>, vector<1x128xf32>
    %add3A_20 = vector.broadcast %get3A_19 : vector<1x128xf32> to vector<10000x128xf32>
    %add3A_21 = arith.addf %mul3A_16, %add3A_20 : vector<10000x128xf32>
    %iota3A = tpu.iota {dimensions = array<i32: 0>} : vector<64x10000xi32>
    %get3A_22 = arith.constant 0 : index
    %get3A_23 = arith.constant 0 : index
    %get3A_24 = vector.load %arg5[%get3A_22, %get3A_23] : memref<1x10000xi32, #tpu.memory_space<vmem>>, vector<1x10000xi32>
    %eq3A = vector.broadcast %get3A_24 : vector<1x10000xi32> to vector<64x10000xi32>
    %eq3A_25 = arith.cmpi eq, %iota3A, %eq3A : vector<64x10000xi32>
    %convert_element_type3A = arith.extui %eq3A_25 : vector<64x10000xi1> to vector<64x10000xi32>
    %convert_element_type3A_26 = arith.sitofp %convert_element_type3A : vector<64x10000xi32> to vector<64x10000xf32>
    %dot_general3A = arith.constant dense<0.000000e+00> : vector<64x128xf32>
    %dot_general3A_27 = tpu.matmul %convert_element_type3A_26, %add3A_21, %dot_general3A {dimension_numbers = #tpu.dot_dimension_numbers<[1], [0], [0], [1], [0, 0, 1, 1], [], []>, transpose_lhs_hint = false} : vector<64x10000xf32>, vector<10000x128xf32>, vector<64x128xf32> -> vector<64x128xf32>
    %get3A_28 = arith.constant 0 : index
    %get3A_29 = arith.constant 0 : index
    %get3A_30 = vector.load %arg4[%get3A_28, %get3A_29] : memref<10000x16xf32, #tpu.memory_space<vmem>>, vector<10000x16xf32>
    %dot_general3A_31 = arith.constant dense<0.000000e+00> : vector<64x16xf32>
    %dot_general3A_32 = tpu.matmul %convert_element_type3A_26, %get3A_30, %dot_general3A_31 {dimension_numbers = #tpu.dot_dimension_numbers<[1], [0], [0], [1], [0, 0, 1, 1], [], []>, transpose_lhs_hint = false} : vector<64x10000xf32>, vector<10000x16xf32>, vector<64x16xf32> -> vector<64x16xf32>
    %reduce_sum3A = arith.constant dense<0.000000e+00> : vector<64xf32>
    %reduce_sum3A_33 = vector.multi_reduction <add>, %convert_element_type3A_26, %reduce_sum3A [1] : vector<64x10000xf32> to vector<64xf32>
    %broadcast_in_dim3A = vector.shape_cast %reduce_sum3A_33 : vector<64xf32> to vector<64x1xf32>
    %get3A_34 = arith.constant 0 : index
    %get3A_35 = arith.constant 0 : index
    %get3A_36 = vector.load %arg6[%get3A_34, %get3A_35] : memref<144x1xf32, #tpu.memory_space<vmem>>, vector<128x1xf32>
    %dot_general3A_37 = arith.constant dense<0.000000e+00> : vector<64x1xf32>
    %dot_general3A_38 = tpu.matmul %dot_general3A_27, %get3A_36, %dot_general3A_37 {dimension_numbers = #tpu.dot_dimension_numbers<[1], [0], [0], [1], [0, 0, 1, 1], [], []>, transpose_lhs_hint = false} : vector<64x128xf32>, vector<128x1xf32>, vector<64x1xf32> -> vector<64x1xf32>
    %get3A_39 = arith.constant 128 : index
    %get3A_40 = arith.constant 0 : index
    %get3A_41 = vector.load %arg6[%get3A_39, %get3A_40] : memref<144x1xf32, #tpu.memory_space<vmem>>, vector<16x1xf32>
    %dot_general3A_42 = arith.constant dense<0.000000e+00> : vector<64x1xf32>
    %dot_general3A_43 = tpu.matmul %dot_general3A_32, %get3A_41, %dot_general3A_42 {dimension_numbers = #tpu.dot_dimension_numbers<[1], [0], [0], [1], [0, 0, 1, 1], [], []>, transpose_lhs_hint = false} : vector<64x16xf32>, vector<16x1xf32>, vector<64x1xf32> -> vector<64x1xf32>
    %add3A_44 = arith.addf %dot_general3A_38, %dot_general3A_43 : vector<64x1xf32>
    %max3A = arith.constant 1.000000e+00 : f32
    %max3A_45 = vector.broadcast %max3A : f32 to vector<64x1xf32>
    %max3A_46 = arith.maximumf %broadcast_in_dim3A, %max3A_45 : vector<64x1xf32>
    %div3A = arith.divf %add3A_44, %max3A_46 : vector<64x1xf32>
    %get3A_47 = arith.constant 0 : index
    %get3A_48 = arith.constant 0 : index
    %get3A_49 = vector.load %arg7[%get3A_47, %get3A_48] : memref<1x1xf32, #tpu.memory_space<vmem>>, vector<1x1xf32>
    %add3A_50 = vector.broadcast %get3A_49 : vector<1x1xf32> to vector<64x1xf32>
    %add3A_51 = arith.addf %div3A, %add3A_50 : vector<64x1xf32>
    %swap3A = arith.constant 0 : index
    %swap3A_52 = arith.constant 0 : index
    %swap3A_53 = vector.load %arg8[%swap3A, %swap3A_52] : memref<64x1xf32, #tpu.memory_space<vmem>>, vector<64x1xf32>
    tpu.vector_store %arg8[%swap3A, %swap3A_52], %add3A_51 {strides = array<i32>} : memref<64x1xf32, #tpu.memory_space<vmem>>, vector<64x1xf32>,
    return
  }
}

</mosaic_0001>

<sc_bundles>
// kernel: kernel.12.cloned.1.call-start
scs
__scs_entry_jumppad:
0x0: {  	(pc) =	sbr.rel $0x88, $3  }
0x1: {  	(tag) =	ssettag $0x0;
	lr =	simm.s32 $0x1  }
0x2: {  	[smem:$0x3F97] =	sst lr;
	_ =	strace $0xD0000000  }
0x3: {  	_ = 	snop  }
0x4: {  	_ = 	snop  }
0x5: {  	_ = 	snop  }
0x6: {  	_ = 	snop  }
0x7: {  	_ = 	snop  }
__scs_overlays_trampoline_lowered:
0x8: {  	[smem:$0x3FA6] =	sst s0  }
0x9: {  	[smem:$0x3FA7] =	sst s1  }
0xa: {  	[smem:$0x3FA8] =	sst s2  }
0xb: {  	[smem:$0x3FA9] =	sst s3  }
0xc: {  	[smem:$0x3FAA] =	sst s4  }
0xd: {  	[smem:$0x3FAB] =	sst s5  }
0xe: {  	[smem:$0x3FAC] =	sst s6  }
0xf: {  	[smem:$0x3FAD] =	sst s7  }
0x10: {  	[smem:$0x3FAE] =	sst s8  }
0x11: {  	[smem:$0x3FAF] =	sst s9;
	s0 =	simm.s32 @!p0 $0x0  }
0x12: {  	s1 =	sld [smem:$0x3F95];
	s0 =	simm.s32 @p0 $0x1  }
0x13: {  	[smem:$0x3FB0] =	sst s0;
	s0 =	simm.s32 @!p1 $0x0  }
0x14: {  	s2 =	sld [smem:$0x3F94];
	s0 =	simm.s32 @p1 $0x1  }
0x15: {  	[smem:$0x3FB1] =	sst s0;
	s0 =	simm.s32 @!p2 $0x0  }
0x16: {  	s3 =	sld [smem:$0x3FDB];
	s0 =	simm.s32 @p2 $0x1  }
0x17: {  	s4 =	simm.s32 $0x1BF5;
	[smem:$0x3FB3] =	sst s0  }
0x18: {  	s0 =	sld [smem:$0x3F96];
	_ =	swait.ge [sflag:s4], $0x0  }
0x19: {  	s7 =	sld [smem:$0x3F97]  }
0x1a: {  	s8 =	sadd.s32 $0xFFFFE003, lr  }
0x1b: {  	s9 =	sadd.s32 $0xFFFFFEF7, lr;
	s5 =	simm.s32 $0xFFFFFFFF;
	p2 =	slt.u32 s8, $0xFFFFF086  }
0x1c: {  	p1 =	slt.u32 s9, $0xF7A;
	s5 =	simm.s32 @!p2 $0x0  }
0x1d: {  	s5 =	simm.s32 @p1 $0x1;
	p0 =	seq.s32 s7, s2  }
0x1e: {  	s7 =	smul.u32 @!p0 $0xF7A, s2;
	p2 =	seq.s32 @!p0 s5, $0x0  }
0x1f: {  	s9 =	smul.u32 $0xF7A, s1;
	s8 =	simm.s32 @!p0 $0x1BF5;
	p2 =	por !p2, p0  }
0x20: {  	[sflag:s8] =	ssyncset.s32 @!p0 $0xFFFFF086;
	s6 =	sadd.s32 @!p0 s3, s7;
	s7 =	simm.s32 @!p0 $0x108  }
0x21: {  	s3 =	sadd.s32 s3, s9;
	s6 =	sadd.s32 @!p0 $0x88, s6;
	s7 =	simm.s32 @p2 $0x1082  }
0x22: {  	[simem:s7], [sflag:s8] =	dma.local @!p0 [hbm:s6], $0xF7A  }
0x23: {  	s9 =	sor.u32 $0xD0000000, s2;
	s6 =	simm.s32 $0x108;
	_ =	swait.ge @!p0 [sflag:s8], $0x0  }
0x24: {  	s3 =	sadd.s32 $0x88, s3;
	s6 =	simm.s32 @!p1 $0x1082;
	[sflag:s4] =	ssyncset.s32 $0xFFFFF086  }
0x25: {  	[simem:s6], [sflag:s4] =	dma.local [hbm:s3], $0xF7A  }
0x26: {  	[smem:$0x3F97] =	sst s1;
	(tag) =	ssettag s2;
	_ =	strace s9  }
0x27: {  	s1 =	sld [smem:$0x3FA7]  }
0x28: {  	s2 =	sld [smem:$0x3FA8]  }
0x29: {  	s4 =	sld [smem:$0x3FAA]  }
0x2a: {  	p0 =	seq.s32 s5, $0x0;
	s5 =	sld [smem:$0x3FAB]  }
0x2b: {  	s6 =	sld [smem:$0x3FAC]  }
0x2c: {  	s7 =	sld [smem:$0x3FAD]  }
0x2d: {  	s3 =	simm.s32 $0x108;
	s8 =	sld [smem:$0x3FAE]  }
0x2e: {  	s3 =	simm.s32 @!p0 $0x1082;
	s9 =	sld [smem:$0x3FAF]  }
0x2f: {  	lr =	sadd.s32 s0, s3;
	s0 =	sld [smem:$0x3FA6]  }
0x30: {  	s3 =	sld [smem:$0x3FA9]  }
0x31: {  	[smem:$0x3FB2] =	sst s10  }
0x32: {  	s10 =	sld [smem:$0x3FB0];
	_ =	sdelay $0x3  }
0x33: {  	p0 =	seq.s32 s10, $0x1;
	s10 =	sld [smem:$0x3FB2];
	_ =	sdelay $0x3  }
0x34: {  	[smem:$0x3FB2] =	sst s10  }
0x35: {  	s10 =	sld [smem:$0x3FB1];
	_ =	sdelay $0x3  }
0x36: {  	p1 =	seq.s32 s10, $0x1;
	s10 =	sld [smem:$0x3FB2];
	_ =	sdelay $0x3  }
0x37: {  	[smem:$0x3FB2] =	sst s10  }
0x38: {  	s10 =	sld [smem:$0x3FB3]  }
0x39: {  	_ = 	snop;
	(pc) =	sbr.ind lr, $3  }
0x3a: {  	_ = 	snop  }
0x3b: {  	_ = 	snop  }
0x3c: {  	p2 =	seq.s32 s10, $0x1;
	s10 =	sld [smem:$0x3FB2]  }
0x3d: {  	_ =	shalt  }
0x3e: {  	_ =	shalt  }
0x3f: {  	_ =	shalt  }
0x40: {  	_ =	shalt  }
0x41: {  	_ =	shalt  }
0x42: {  	_ =	shalt  }
0x43: {  	_ =	shalt  }
0x44: {  	_ =	shalt  }
0x45: {  	_ =	shalt  }
0x46: {  	_ =	shalt  }
0x47: {  	_ =	shalt  }
0x48: {  	_ =	shalt  }
0x49: {  	_ =	shalt  }
0x4a: {  	_ =	shalt  }
0x4b: {  	_ =	shalt  }
0x4c: {  	_ =	shalt  }
0x4d: {  	_ =	shalt  }
0x4e: {  	_ =	shalt  }
0x4f: {  	_ =	shalt  }
0x50: {  	_ =	shalt  }
0x51: {  	_ =	shalt  }
0x52: {  	_ =	shalt  }
0x53: {  	_ =	shalt  }
0x54: {  	_ =	shalt  }
0x55: {  	_ =	shalt  }
0x56: {  	_ =	shalt  }
0x57: {  	_ =	shalt  }
0x58: {  	_ =	shalt  }
0x59: {  	_ =	shalt  }
0x5a: {  	_ =	shalt  }
0x5b: {  	_ =	shalt  }
0x5c: {  	_ =	shalt  }
0x5d: {  	_ =	shalt  }
0x5e: {  	_ =	shalt  }
0x5f: {  	_ =	shalt  }
0x60: {  	_ =	shalt  }
0x61: {  	_ =	shalt  }
0x62: {  	_ =	shalt  }
0x63: {  	_ =	shalt  }
0x64: {  	_ =	shalt  }
0x65: {  	_ =	shalt  }
0x66: {  	_ =	shalt  }
0x67: {  	_ =	shalt  }
0x68: {  	_ =	shalt  }
0x69: {  	_ =	shalt  }
0x6a: {  	_ =	shalt  }
0x6b: {  	_ =	shalt  }
0x6c: {  	_ =	shalt  }
0x6d: {  	_ =	shalt  }
0x6e: {  	_ =	shalt  }
0x6f: {  	_ =	shalt  }
0x70: {  	_ =	shalt  }
0x71: {  	_ =	shalt  }
0x72: {  	_ =	shalt  }
0x73: {  	_ =	shalt  }
0x74: {  	_ =	shalt  }
0x75: {  	_ =	shalt  }
0x76: {  	_ =	shalt  }
0x77: {  	_ =	shalt  }
0x78: {  	_ =	shalt  }
0x79: {  	_ =	shalt  }
0x7a: {  	_ =	shalt  }
0x7b: {  	_ =	shalt  }
0x7c: {  	_ =	shalt  }
0x7d: {  	_ =	shalt  }
0x7e: {  	_ =	shalt  }
0x7f: {  	_ =	shalt  }
0x80: {  	_ =	shalt  }
0x81: {  	_ =	shalt  }
0x82: {  	_ =	shalt  }
0x83: {  	_ =	shalt  }
0x84: {  	_ =	shalt  }
0x85: {  	_ =	shalt  }
0x86: {  	_ =	shalt  }
0x87: {  	_ =	shalt  }
.Lfunc_end0:
.L_simem_size_0:
called_computation.1_lowered:
.L_overlay_start_0:
0x88: {  	s2 =	sld [smem:$0x3FD9]  }
0x89: {  	s3 =	sld [smem:$0x3FFE];
	_ =	sdelay $0x1  }
0x8a: {  	s1 =	srdreg.scid  }
0x8b: {  	s0 =	sand.u32 $0x1, s1  }
0x8c: {  	s16 =	sshll.u32 s0, $0xA;
	s2 =	sadd.s32 s3, s2  }
0x8d: {  	s2 =	sadd.s32 s2, s16  }
0x8e: {  	[smem:$0x3FBE] =	sst s2  }
0x8f: {  	_ = 	snop  }
0x90: {  	(tm) =	ssettm $0x1  }
0x91: {  	s17 =	sld [smem:$0x3FFB];
	_ =	sdelay $0x3  }
0x92: {  	_ =	strace s17  }
0x93: {  	s2 =	sld [smem:$0x3FFC];
	_ =	sdelay $0x3  }
0x94: {  	_ =	strace s2  }
0x95: {  	s2 =	sld [smem:$0x3FFD];
	_ =	sdelay $0x3  }
0x96: {  	_ =	strace s2  }
0x97: {  	_ =	strace $0x8FFFFFFF  }
0x98: {  	s18 =	sld [smem:$0x3FDB];
	_ =	sdelay $0x1  }
0x99: {  	s19 =	simm.s32 $_scs_section_size  }
0x9a: {  	s4 =	simm.s32 $_size__tile_overlayer_lowered;
	s5 =	simm.s32 $_tile_overlayer_lowered  }
0x9b: {  	s22 =	simm.s32 $0x1BFF;
	s21 =	sshll.u32 s5, $0x1;
	s2 =	sadd.s32 s19, s18  }
0x9c: {  	s6 =	simm.s32 $0x0;
	s20 =	sshll.u32 s4, $0x1;
	s4 =	sadd.s32 s21, s2  }
0x9d: {  	[timem:s6], [sflag:s22] =	dma.local [hbm:s4], s20  }
0x9e: {  	_ =	swait.ge [sflag:s22], s20  }
0x9f: {  	s3 =	ssub.s32 $0x0, s20;
	[sflag:s22] =	ssyncset.done $0x0  }
0xa0: {  	[sflag:s22] =	ssyncadd.s32 s3;
	_ =	sdelay $0x1  }
0xa1: {  	s23 =	simm.s32 $0x1B8B  }
0xa2: {  	_ =	swait.ge [sflag:s23], $0x1  }
0xa3: {  	[sflag:s23] =	ssyncset.done $0x0  }
0xa4: {  	s25 =	simm.s32 $0x1B8E;
	s24 =	sld [smem:$0x3FFE];
	[sflag:s23] =	ssyncadd.s32 $0xFFFFFFFF  }
0xa5: {  	s26 =	simm.s32 $execute0_lowered;
	[smem:$0x3FD2] =	sst s25  }
0xa6: {  	s4 =	sshll.u32 s26, $0x1;
	_ =	strace $0x80000049;
	[dreg:$0x1] =	wrdreg $0xFFFFFFFF  }
0xa7: {  	s28 =	simm.s32 $_size_execute0_lowered;
	s2 =	sadd.s32 s2, s4;
	[dreg:$0x0] =	wrdreg $0x0  }
0xa8: {  	s4 =	sshll.u32 s28, $0x1;
	[dreg:$0x2] =	wrdreg s2  }
0xa9: {  	[dreg:$0x3] =	wrdreg s4  }
0xaa: {  	[dreg:$0x4] =	wrdreg $0xC0  }
0xab: {  	_ =	task [dreg:s6], $0x5FFFF  }
0xac: {  	[dreg:$0x1] =	wrdreg $0xFFFFFFFF  }
0xad: {  	[dreg:$0x0] =	wrdreg $0x60  }
0xae: {  	[dreg:$0x2] =	wrdreg s24  }
0xaf: {  	[dreg:$0x3] =	wrdreg $0x41000  }
0xb0: {  	[dreg:$0x4] =	wrdreg $0x9  }
0xb1: {  	_ =	task.clear_ibuf [dreg:s6], $0x5FFFF;
	_ =	strace $0x90000049  }
0xb2: {  	s29 =	simm.s32 $0x9;
	_ =	strace $0x8000004B  }
0xb3: {  	_ =	swait.ge [sflag:s29], $0x1  }
0xb4: {  	[sflag:s29] =	ssyncadd.s32 $0xFFFFFFFF  }
0xb5: {  	_ =	strace $0x9000004B  }
0xb6: {  	_ =	sfence  }
0xb7: {  	s30 =	sld [smem:$0x0];
	_ =	sdelay $0x2  }
0xb8: {  	s31 =	sshll.u32 s1, $0xD;
	s1 =	sshrl.u32 s1, $0x2  }
0xb9: {  	s3 =	sand.u32 $0x4000, s31;
	s1 =	sadd.s32 s1, s30  }
0xba: {  	s0 =	sor.u32 s3, s0;
	s1 =	sshll.u32 s1, $0x11  }
0xbb: {  	s0 =	sor.u32 s1, s0  }
0xbc: {  	s0 =	sadd.s32 $0x8F2B, s0  }
0xbd: {  	[sflag:s0] =	ssyncadd.remote.s32 $0x1  }
0xbe: {  	_ =	sfence.sel $0xFFFF  }
0xbf: {  	[dreg:$0x0] =	wrdreg $0xFFFFFFFF;
	(pc) =	sbr.abs _section_cstart, $3  }
0xc0: {  	[dreg:$0x1] =	wrdreg $0xFFFFFFFF  }
0xc1: {  	_ =	task.clear_ibuf [dreg:s6], $0x2FFFF;
	_ =	strace $0x9FFFFFFF  }
0xc2: {  	(tm) =	ssettm $0x7FFFFFFF  }
0xc3: {  	_ =	shalt  }
tec
execute0_lowered:
.L_overlay_start_1:
0x0: {  	(tag) =	ssettag $0x1  }
0x1: {  	s6 =	rddreg [dreg:$0x0];
	s0 =	srdreg.scid  }
0x2: {  	s2 =	rddreg [dreg:$0x1];
	s1 =	stileid.u32;
	s3 =	simm.s32 $0x0  }
0x3: {  	s14 =	simm.s32 $0x100;
	s15 =	simm.s32 $0x1;
	s8 =	smul.u32 $0x14000, s1  }
0x4: {  	s7 =	sand.u32 $0x1, s0;
	s0 =	rddreg [dreg:$0x2];
	s10 =	smul.u32 $0x50000, s1  }
0x5: {  	s16 =	simm.s32 $0x0;
	[smem:$0x7FF] =	sst s3;
	s11 =	smul.u32 $0x4F0, s1  }
0x6: {  	s4 =	sadd.s32 $0x2000, s6;
	s30 =	sshll.u32 s1, $0x6;
	s5 =	smul.u32 $0x140000, s7  }
0x7: {  	s9 =	smul.u32 $0x4F00, s7;
	_ =	strace $0x8000004A;
	s29 =	ssub.s32 $0x2, s7  }
0x8: {  	s7 =	sshrl.u32 s29, $0x1;
	s10 =	sshrl.u32 s10, $0x2;
	s5 =	sadd.s32 s8, s5  }
0x9: {  	s26 =	sadd.s32 s9, s6;
	s12 =	ssub.s32 s29, s7;
	s13 =	sadd.s32 s10, s2  }
0xa: {  	s28 =	sshrl.u32 s5, $0x3;
	s5 =	sadd.s32 $0x29200, s6;
	s31 =	sadd.s32 s11, s26  }
0xb: {  	s8 =	smax.u32 s12, $0x1;
	s11 =	sshrl.u32 s13, $0x3;
	s12 =	simm.s32 $0x2  }
0xc: {  	s13 =	simm.s32 $0x80;
	s9 =	sadd.s32 s28, s6;
	s6 =	sor.u32 $0x1C02, s30  }
0xd: {  	s10 =	sadd.s32 $0x4E4000, s31;
	s7 =	sadd.s32 $0x2BA00, s9;
	s9 =	sadd.s32 $0x4EDE00, s31  }
.LBB2_1:
0xe: {  	[spmem:s11], [sflag:s6] =	dma.local [hbm:s5], $0x2800  }
0xf: {  	_ =	swait.ge [sflag:s12], $0x2800  }
0x10: {  	[sflag:s12] =	ssyncset.done $0x0  }
0x11: {  	[sflag:s12] =	ssyncadd.s32 $0xFFFFD800  }
0x12: {  	s17 =	sadd.s32 $0x0, s10;
	[bflag:$0x0] =	sbarrier.arrive $0xFFFF  }
0x13: {  	[tilespmem:s3], [sflag:$0x2] =	stream.linear.gather [hbm4b:s17+s3], $0x80, $0x38;
	[tilespmem:$0x18100] =	vst v63  }
0x14: {  	_ =	swait.ge [sflag:s12], $0x80  }
0x15: {  	[sflag:s12] =	ssyncset.done $0x0  }
0x16: {  	s31 =	sadd.s32 $0x0, s9;
	[sflag:s12] =	ssyncadd.s32 $0xFFFFFF80  }
0x17: {  	[tilespmem:s13], [sflag:$0x2] =	stream.linear.gather [hbm4b:s31+s3], $0x80, $0x38;
	[tilespmem:$0x18100] =	vst v63  }
0x18: {  	_ =	swait.ge [sflag:s12], $0x80  }
0x19: {  	[sflag:s12] =	ssyncset.done $0x0  }
0x1a: {  	[sflag:s12] =	ssyncadd.s32 $0xFFFFFF80  }
0x1b: {  	[tilespmem:s14], [sflag:$0x1] =	stream.indirect.gather [hbm4b:s4+s13], $0x80, s3, s13, $0xb8;
	[tilespmem:$0x18100] =	vst v63  }
0x1c: {  	_ =	swait.ge [sflag:s15], $0x4000  }
0x1d: {  	[sflag:s15] =	ssyncset.done $0x0  }
0x1e: {  	[sflag:s15] =	ssyncadd.s32 $0xFFFFC000  }
0x1f: {  	[spmem:s2] =	stream.indirect.scatter.add.f32 [tilespmem:s14], [sflag:$0x2], $0x80, s13, s13, $0xb8;
	[tilespmem:$0x18100] =	vst v63  }
0x20: {  	_ =	swait.ge [sflag:s12], $0x4000  }
0x21: {  	s18 =	simm.s32 $0x20;
	s17 =	simm.s32 $0x10;
	[sflag:s12] =	ssyncset.done $0x0  }
.LBB2_2:
0x22: {  	s19 =	sadd.s32 s17, s10  }
0x23: {  	[sflag:s12] =	ssyncadd.s32 $0xFFFFC000;
	s20 =	smov.u32 s18;
	s21 =	sadd.s32 $0x10, s18  }
0x24: {  	[tilespmem:s3], [sflag:$0x2] =	stream.linear.gather [hbm4b:s19+s3], $0x80, $0x38;
	[tilespmem:$0x18100] =	vst v63  }
0x25: {  	p0 =	sne.s32 s18, $0x4E0;
	_ =	swait.ge [sflag:s12], $0x80  }
0x26: {  	[sflag:s12] =	ssyncset.done $0x0  }
0x27: {  	s18 =	sadd.s32 s17, s9;
	s17 =	smov.u32 s20;
	[sflag:s12] =	ssyncadd.s32 $0xFFFFFF80  }
0x28: {  	[tilespmem:s13], [sflag:$0x2] =	stream.linear.gather [hbm4b:s18+s3], $0x80, $0x38;
	[tilespmem:$0x18100] =	vst v63  }
0x29: {  	_ =	swait.ge [sflag:s12], $0x80  }
0x2a: {  	[sflag:s12] =	ssyncset.done $0x0  }
0x2b: {  	[sflag:s12] =	ssyncadd.s32 $0xFFFFFF80  }
0x2c: {  	[tilespmem:s14], [sflag:$0x1] =	stream.indirect.gather [hbm4b:s4+s13], $0x80, s3, s13, $0xb8;
	[tilespmem:$0x18100] =	vst v63  }
0x2d: {  	_ =	swait.ge [sflag:s15], $0x4000  }
.Ltmp0:
0x2e: {  	[sflag:s15] =	ssyncset.done $0x0;
	(pc) =	sbr.rel @p0 .LBB2_2-.Ltmp0, $4  }
0x2f: {  	[sflag:s15] =	ssyncadd.s32 $0xFFFFC000  }
0x30: {  	[spmem:s2] =	stream.indirect.scatter.add.f32 [tilespmem:s14], [sflag:$0x2], $0x80, s13, s13, $0xb8;
	[tilespmem:$0x18100] =	vst v63  }
0x31: {  	_ =	swait.ge [sflag:s12], $0x4000  }
0x32: {  	s18 =	smov.u32 s21;
	[sflag:s12] =	ssyncset.done $0x0  }
0x33: {  	s18 =	sadd.s32 s17, s10;
	[sflag:s12] =	ssyncadd.s32 $0xFFFFC000  }
0x34: {  	[tilespmem:s3], [sflag:$0x2] =	stream.linear.gather [hbm4b:s18+s3], $0x80, $0x38;
	[tilespmem:$0x18100] =	vst v63  }
0x35: {  	_ =	swait.ge [sflag:s12], $0x80  }
0x36: {  	[sflag:s12] =	ssyncset.done $0x0  }
0x37: {  	s31 =	sadd.s32 s17, s9;
	[sflag:s12] =	ssyncadd.s32 $0xFFFFFF80  }
0x38: {  	[tilespmem:s13], [sflag:$0x2] =	stream.linear.gather [hbm4b:s31+s3], $0x80, $0x38;
	[tilespmem:$0x18100] =	vst v63  }
0x39: {  	_ =	swait.ge [sflag:s12], $0x80  }
0x3a: {  	[sflag:s12] =	ssyncset.done $0x0  }
0x3b: {  	[sflag:s12] =	ssyncadd.s32 $0xFFFFFF80  }
0x3c: {  	[tilespmem:s14], [sflag:$0x1] =	stream.indirect.gather [hbm4b:s4+s13], $0x80, s3, s13, $0xb8;
	[tilespmem:$0x18100] =	vst v63  }
0x3d: {  	_ =	swait.ge [sflag:s15], $0x4000  }
0x3e: {  	[sflag:s15] =	ssyncset.done $0x0  }
0x3f: {  	[sflag:s15] =	ssyncadd.s32 $0xFFFFC000  }
0x40: {  	[spmem:s2] =	stream.indirect.scatter.add.f32 [tilespmem:s14], [sflag:$0x2], $0x80, s13, s13, $0xb8;
	[tilespmem:$0x18100] =	vst v63  }
0x41: {  	_ =	swait.ge [sflag:s12], $0x4000  }
0x42: {  	s16 =	sadd.s32 $0x1, s16;
	[sflag:s12] =	ssyncset.done $0x0  }
0x43: {  	p0 =	sne.s32 s16, s8;
	[sflag:s12] =	ssyncadd.s32 $0xFFFFC000  }
.Ltmp1:
0x44: {  	[bflag:$0x0] =	sbarrier.arrive $0xFFFF;
	(pc) =	sbr.rel @p0 .LBB2_1-.Ltmp1, $4  }
0x45: {  	[hbm:s7], [sflag:s6] =	dma.local [spmem:s11], $0x2800  }
0x46: {  	_ =	swait.ge [sflag:s12], $0x2800  }
0x47: {  	[sflag:s12] =	ssyncset.done $0x0  }
0x48: {  	[sflag:s12] =	ssyncadd.s32 $0xFFFFD800  }
0x49: {  	_ =	sfence.sel $0x180000  }
0x4a: {  	[bflag:$0x0] =	sbarrier.arrive $0xFFFF  }
0x4b: {  	p0 =	sne.s32 s1, $0x0;
	_ =	strace $0x9000004A  }
0x4c: {  	s0 =	sadd.s32 @!p0 $0x100000, s0;
	[bflag:$0x2] =	sbarrier.arrive $0xFFFF  }
0x4d: {  	[sflag:s0] =	ssyncadd.tile.s32 @!p0 $0x1;
	_ =	shalt  }
.Lfunc_end2:
_tile_overlayer_lowered:
.L_overlay_start_2:
0x4e: {  	(tag) =	ssettag $0x2  }
0x4f: {  	s0 =	rddreg [dreg:$0x0];
	s2 =	stileid.u32  }
0x50: {  	s1 =	rddreg [dreg:$0x1];
	p0 =	sne.s32 s2, $0x0  }
0x51: {  	s3 =	rddreg [dreg:$0x2];
	[bflag:$0x3] =	sbarrier.arrive $0xFFFF;
	s2 =	simm.s32 @!p0 $0x1C02  }
0x52: {  	[timem:s3], [sflag:s2] =	dma.local @!p0 [hbm:s0], s1  }
0x53: {  	s0 =	simm.s32 @!p0 $0x2  }
0x54: {  	_ =	swait.ge @!p0 [sflag:s0], s1  }
0x55: {  	s1 =	ssub.s32 @!p0 $0x0, s1;
	[sflag:s0] =	ssyncset.done @!p0 $0x0  }
0x56: {  	[sflag:s0] =	ssyncadd.s32 @!p0 s1  }
0x57: {  	[bflag:$0x3] =	sbarrier.arrive $0xFFFF  }
0x58: {  	_ =	shalt  }

// kernel: kernel.15.cloned.1.call-start
scs
__scs_entry_jumppad:
0x0: {  	(pc) =	sbr.rel $0x88, $3  }
0x1: {  	(tag) =	ssettag $0x0;
	lr =	simm.s32 $0x1  }
0x2: {  	[smem:$0x3F97] =	sst lr;
	_ =	strace $0xD0000000  }
0x3: {  	_ = 	snop  }
0x4: {  	_ = 	snop  }
0x5: {  	_ = 	snop  }
0x6: {  	_ = 	snop  }
0x7: {  	_ = 	snop  }
__scs_overlays_trampoline_lowered:
0x8: {  	[smem:$0x3FA6] =	sst s0  }
0x9: {  	[smem:$0x3FA7] =	sst s1  }
0xa: {  	[smem:$0x3FA8] =	sst s2  }
0xb: {  	[smem:$0x3FA9] =	sst s3  }
0xc: {  	[smem:$0x3FAA] =	sst s4  }
0xd: {  	[smem:$0x3FAB] =	sst s5  }
0xe: {  	[smem:$0x3FAC] =	sst s6  }
0xf: {  	[smem:$0x3FAD] =	sst s7  }
0x10: {  	[smem:$0x3FAE] =	sst s8  }
0x11: {  	[smem:$0x3FAF] =	sst s9;
	s0 =	simm.s32 @!p0 $0x0  }
0x12: {  	s1 =	sld [smem:$0x3F95];
	s0 =	simm.s32 @p0 $0x1  }
0x13: {  	[smem:$0x3FB0] =	sst s0;
	s0 =	simm.s32 @!p1 $0x0  }
0x14: {  	s2 =	sld [smem:$0x3F94];
	s0 =	simm.s32 @p1 $0x1  }
0x15: {  	[smem:$0x3FB1] =	sst s0;
	s0 =	simm.s32 @!p2 $0x0  }
0x16: {  	s3 =	sld [smem:$0x3FDB];
	s0 =	simm.s32 @p2 $0x1  }
0x17: {  	s4 =	simm.s32 $0x1BF5;
	[smem:$0x3FB3] =	sst s0  }
0x18: {  	s0 =	sld [smem:$0x3F96];
	_ =	swait.ge [sflag:s4], $0x0  }
0x19: {  	s7 =	sld [smem:$0x3F97]  }
0x1a: {  	s8 =	sadd.s32 $0xFFFFE003, lr  }
0x1b: {  	s9 =	sadd.s32 $0xFFFFFEF7, lr;
	s5 =	simm.s32 $0xFFFFFFFF;
	p2 =	slt.u32 s8, $0xFFFFF086  }
0x1c: {  	p1 =	slt.u32 s9, $0xF7A;
	s5 =	simm.s32 @!p2 $0x0  }
0x1d: {  	s5 =	simm.s32 @p1 $0x1;
	p0 =	seq.s32 s7, s2  }
0x1e: {  	s7 =	smul.u32 @!p0 $0xF7A, s2;
	p2 =	seq.s32 @!p0 s5, $0x0  }
0x1f: {  	s9 =	smul.u32 $0xF7A, s1;
	s8 =	simm.s32 @!p0 $0x1BF5;
	p2 =	por !p2, p0  }
0x20: {  	[sflag:s8] =	ssyncset.s32 @!p0 $0xFFFFF086;
	s6 =	sadd.s32 @!p0 s3, s7;
	s7 =	simm.s32 @!p0 $0x108  }
0x21: {  	s3 =	sadd.s32 s3, s9;
	s6 =	sadd.s32 @!p0 $0x88, s6;
	s7 =	simm.s32 @p2 $0x1082  }
0x22: {  	[simem:s7], [sflag:s8] =	dma.local @!p0 [hbm:s6], $0xF7A  }
0x23: {  	s9 =	sor.u32 $0xD0000000, s2;
	s6 =	simm.s32 $0x108;
	_ =	swait.ge @!p0 [sflag:s8], $0x0  }
0x24: {  	s3 =	sadd.s32 $0x88, s3;
	s6 =	simm.s32 @!p1 $0x1082;
	[sflag:s4] =	ssyncset.s32 $0xFFFFF086  }
0x25: {  	[simem:s6], [sflag:s4] =	dma.local [hbm:s3], $0xF7A  }
0x26: {  	[smem:$0x3F97] =	sst s1;
	(tag) =	ssettag s2;
	_ =	strace s9  }
0x27: {  	s1 =	sld [smem:$0x3FA7]  }
0x28: {  	s2 =	sld [smem:$0x3FA8]  }
0x29: {  	s4 =	sld [smem:$0x3FAA]  }
0x2a: {  	p0 =	seq.s32 s5, $0x0;
	s5 =	sld [smem:$0x3FAB]  }
0x2b: {  	s6 =	sld [smem:$0x3FAC]  }
0x2c: {  	s7 =	sld [smem:$0x3FAD]  }
0x2d: {  	s3 =	simm.s32 $0x108;
	s8 =	sld [smem:$0x3FAE]  }
0x2e: {  	s3 =	simm.s32 @!p0 $0x1082;
	s9 =	sld [smem:$0x3FAF]  }
0x2f: {  	lr =	sadd.s32 s0, s3;
	s0 =	sld [smem:$0x3FA6]  }
0x30: {  	s3 =	sld [smem:$0x3FA9]  }
0x31: {  	[smem:$0x3FB2] =	sst s10  }
0x32: {  	s10 =	sld [smem:$0x3FB0];
	_ =	sdelay $0x3  }
0x33: {  	p0 =	seq.s32 s10, $0x1;
	s10 =	sld [smem:$0x3FB2];
	_ =	sdelay $0x3  }
0x34: {  	[smem:$0x3FB2] =	sst s10  }
0x35: {  	s10 =	sld [smem:$0x3FB1];
	_ =	sdelay $0x3  }
0x36: {  	p1 =	seq.s32 s10, $0x1;
	s10 =	sld [smem:$0x3FB2];
	_ =	sdelay $0x3  }
0x37: {  	[smem:$0x3FB2] =	sst s10  }
0x38: {  	s10 =	sld [smem:$0x3FB3]  }
0x39: {  	_ = 	snop;
	(pc) =	sbr.ind lr, $3  }
0x3a: {  	_ = 	snop  }
0x3b: {  	_ = 	snop  }
0x3c: {  	p2 =	seq.s32 s10, $0x1;
	s10 =	sld [smem:$0x3FB2]  }
0x3d: {  	_ =	shalt  }
0x3e: {  	_ =	shalt  }
0x3f: {  	_ =	shalt  }
0x40: {  	_ =	shalt  }
0x41: {  	_ =	shalt  }
0x42: {  	_ =	shalt  }
0x43: {  	_ =	shalt  }
0x44: {  	_ =	shalt  }
0x45: {  	_ =	shalt  }
0x46: {  	_ =	shalt  }
0x47: {  	_ =	shalt  }
0x48: {  	_ =	shalt  }
0x49: {  	_ =	shalt  }
0x4a: {  	_ =	shalt  }
0x4b: {  	_ =	shalt  }
0x4c: {  	_ =	shalt  }
0x4d: {  	_ =	shalt  }
0x4e: {  	_ =	shalt  }
0x4f: {  	_ =	shalt  }
0x50: {  	_ =	shalt  }
0x51: {  	_ =	shalt  }
0x52: {  	_ =	shalt  }
0x53: {  	_ =	shalt  }
0x54: {  	_ =	shalt  }
0x55: {  	_ =	shalt  }
0x56: {  	_ =	shalt  }
0x57: {  	_ =	shalt  }
0x58: {  	_ =	shalt  }
0x59: {  	_ =	shalt  }
0x5a: {  	_ =	shalt  }
0x5b: {  	_ =	shalt  }
0x5c: {  	_ =	shalt  }
0x5d: {  	_ =	shalt  }
0x5e: {  	_ =	shalt  }
0x5f: {  	_ =	shalt  }
0x60: {  	_ =	shalt  }
0x61: {  	_ =	shalt  }
0x62: {  	_ =	shalt  }
0x63: {  	_ =	shalt  }
0x64: {  	_ =	shalt  }
0x65: {  	_ =	shalt  }
0x66: {  	_ =	shalt  }
0x67: {  	_ =	shalt  }
0x68: {  	_ =	shalt  }
0x69: {  	_ =	shalt  }
0x6a: {  	_ =	shalt  }
0x6b: {  	_ =	shalt  }
0x6c: {  	_ =	shalt  }
0x6d: {  	_ =	shalt  }
0x6e: {  	_ =	shalt  }
0x6f: {  	_ =	shalt  }
0x70: {  	_ =	shalt  }
0x71: {  	_ =	shalt  }
0x72: {  	_ =	shalt  }
0x73: {  	_ =	shalt  }
0x74: {  	_ =	shalt  }
0x75: {  	_ =	shalt  }
0x76: {  	_ =	shalt  }
0x77: {  	_ =	shalt  }
0x78: {  	_ =	shalt  }
0x79: {  	_ =	shalt  }
0x7a: {  	_ =	shalt  }
0x7b: {  	_ =	shalt  }
0x7c: {  	_ =	shalt  }
0x7d: {  	_ =	shalt  }
0x7e: {  	_ =	shalt  }
0x7f: {  	_ =	shalt  }
0x80: {  	_ =	shalt  }
0x81: {  	_ =	shalt  }
0x82: {  	_ =	shalt  }
0x83: {  	_ =	shalt  }
0x84: {  	_ =	shalt  }
0x85: {  	_ =	shalt  }
0x86: {  	_ =	shalt  }
0x87: {  	_ =	shalt  }
.Lfunc_end0:
.L_simem_size_0:
called_computation.2_lowered:
.L_overlay_start_0:
0x88: {  	s2 =	sld [smem:$0x3FD9]  }
0x89: {  	s3 =	sld [smem:$0x3FFE];
	_ =	sdelay $0x1  }
0x8a: {  	s1 =	srdreg.scid  }
0x8b: {  	s0 =	sand.u32 $0x1, s1  }
0x8c: {  	s16 =	sshll.u32 s0, $0xA;
	s2 =	sadd.s32 s3, s2  }
0x8d: {  	s2 =	sadd.s32 s2, s16  }
0x8e: {  	[smem:$0x3FBE] =	sst s2  }
0x8f: {  	_ = 	snop  }
0x90: {  	(tm) =	ssettm $0x1  }
0x91: {  	s17 =	sld [smem:$0x3FFB];
	_ =	sdelay $0x3  }
0x92: {  	_ =	strace s17  }
0x93: {  	s2 =	sld [smem:$0x3FFC];
	_ =	sdelay $0x3  }
0x94: {  	_ =	strace s2  }
0x95: {  	s2 =	sld [smem:$0x3FFD];
	_ =	sdelay $0x3  }
0x96: {  	_ =	strace s2  }
0x97: {  	_ =	strace $0x8FFFFFFF  }
0x98: {  	s18 =	sld [smem:$0x3FDB];
	_ =	sdelay $0x1  }
0x99: {  	s19 =	simm.s32 $_scs_section_size  }
0x9a: {  	s4 =	simm.s32 $_size__tile_overlayer_lowered;
	s5 =	simm.s32 $_tile_overlayer_lowered  }
0x9b: {  	s22 =	simm.s32 $0x1BFF;
	s21 =	sshll.u32 s5, $0x1;
	s2 =	sadd.s32 s19, s18  }
0x9c: {  	s6 =	simm.s32 $0x0;
	s20 =	sshll.u32 s4, $0x1;
	s4 =	sadd.s32 s21, s2  }
0x9d: {  	[timem:s6], [sflag:s22] =	dma.local [hbm:s4], s20  }
0x9e: {  	_ =	swait.ge [sflag:s22], s20  }
0x9f: {  	s3 =	ssub.s32 $0x0, s20;
	[sflag:s22] =	ssyncset.done $0x0  }
0xa0: {  	[sflag:s22] =	ssyncadd.s32 s3;
	_ =	sdelay $0x1  }
0xa1: {  	s23 =	simm.s32 $0x1B8B  }
0xa2: {  	_ =	swait.ge [sflag:s23], $0x1  }
0xa3: {  	[sflag:s23] =	ssyncset.done $0x0  }
0xa4: {  	s25 =	simm.s32 $0x1B8E;
	s24 =	sld [smem:$0x3FFE];
	[sflag:s23] =	ssyncadd.s32 $0xFFFFFFFF  }
0xa5: {  	s26 =	simm.s32 $execute0_lowered;
	[smem:$0x3FD2] =	sst s25  }
0xa6: {  	s4 =	sshll.u32 s26, $0x1;
	_ =	strace $0x8000004C;
	[dreg:$0x1] =	wrdreg $0xFFFFFFFF  }
0xa7: {  	s28 =	simm.s32 $_size_execute0_lowered;
	s2 =	sadd.s32 s2, s4;
	[dreg:$0x0] =	wrdreg $0x0  }
0xa8: {  	s4 =	sshll.u32 s28, $0x1;
	[dreg:$0x2] =	wrdreg s2  }
0xa9: {  	[dreg:$0x3] =	wrdreg s4  }
0xaa: {  	[dreg:$0x4] =	wrdreg $0xC0  }
0xab: {  	_ =	task [dreg:s6], $0x5FFFF  }
0xac: {  	[dreg:$0x1] =	wrdreg $0xFFFFFFFF  }
0xad: {  	[dreg:$0x0] =	wrdreg $0x60  }
0xae: {  	[dreg:$0x2] =	wrdreg s24  }
0xaf: {  	[dreg:$0x3] =	wrdreg $0x41000  }
0xb0: {  	[dreg:$0x4] =	wrdreg $0x9  }
0xb1: {  	_ =	task.clear_ibuf [dreg:s6], $0x5FFFF;
	_ =	strace $0x9000004C  }
0xb2: {  	s29 =	simm.s32 $0x9;
	_ =	strace $0x8000004E  }
0xb3: {  	_ =	swait.ge [sflag:s29], $0x1  }
0xb4: {  	[sflag:s29] =	ssyncadd.s32 $0xFFFFFFFF  }
0xb5: {  	_ =	strace $0x9000004E  }
0xb6: {  	_ =	sfence  }
0xb7: {  	s30 =	sld [smem:$0x0];
	_ =	sdelay $0x2  }
0xb8: {  	s31 =	sshll.u32 s1, $0xD;
	s1 =	sshrl.u32 s1, $0x2  }
0xb9: {  	s3 =	sand.u32 $0x4000, s31;
	s1 =	sadd.s32 s1, s30  }
0xba: {  	s0 =	sor.u32 s3, s0;
	s1 =	sshll.u32 s1, $0x11  }
0xbb: {  	s0 =	sor.u32 s1, s0  }
0xbc: {  	s0 =	sadd.s32 $0x8F2B, s0  }
0xbd: {  	[sflag:s0] =	ssyncadd.remote.s32 $0x1  }
0xbe: {  	_ =	sfence.sel $0xFFFF  }
0xbf: {  	[dreg:$0x0] =	wrdreg $0xFFFFFFFF;
	(pc) =	sbr.abs _section_cstart, $3  }
0xc0: {  	[dreg:$0x1] =	wrdreg $0xFFFFFFFF  }
0xc1: {  	_ =	task.clear_ibuf [dreg:s6], $0x2FFFF;
	_ =	strace $0x9FFFFFFF  }
0xc2: {  	(tm) =	ssettm $0x7FFFFFFF  }
0xc3: {  	_ =	shalt  }
tec
execute0_lowered:
.L_overlay_start_1:
0x0: {  	(tag) =	ssettag $0x1  }
0x1: {  	s6 =	rddreg [dreg:$0x0];
	s0 =	srdreg.scid  }
0x2: {  	s2 =	rddreg [dreg:$0x1];
	s1 =	stileid.u32;
	s3 =	simm.s32 $0x0  }
0x3: {  	s14 =	simm.s32 $0x100;
	s15 =	simm.s32 $0x1;
	s8 =	smul.u32 $0x14000, s1  }
0x4: {  	s7 =	sand.u32 $0x1, s0;
	s0 =	rddreg [dreg:$0x2];
	s10 =	smul.u32 $0x50000, s1  }
0x5: {  	s16 =	simm.s32 $0x0;
	[smem:$0x7FF] =	sst s3;
	s11 =	smul.u32 $0x4F0, s1  }
0x6: {  	s4 =	sadd.s32 $0x2000, s6;
	s30 =	sshll.u32 s1, $0x6;
	s5 =	smul.u32 $0x140000, s7  }
0x7: {  	s9 =	smul.u32 $0x4F00, s7;
	_ =	strace $0x8000004D;
	s29 =	ssub.s32 $0x2, s7  }
0x8: {  	s7 =	sshrl.u32 s29, $0x1;
	s10 =	sshrl.u32 s10, $0x2;
	s5 =	sadd.s32 s8, s5  }
0x9: {  	s26 =	sadd.s32 s9, s6;
	s12 =	ssub.s32 s29, s7;
	s13 =	sadd.s32 s10, s2  }
0xa: {  	s28 =	sshrl.u32 s5, $0x3;
	s5 =	sadd.s32 $0x29200, s6;
	s31 =	sadd.s32 s11, s26  }
0xb: {  	s8 =	smax.u32 s12, $0x1;
	s11 =	sshrl.u32 s13, $0x3;
	s12 =	simm.s32 $0x2  }
0xc: {  	s13 =	simm.s32 $0x80;
	s9 =	sadd.s32 s28, s6;
	s6 =	sor.u32 $0x1C02, s30  }
0xd: {  	s10 =	sadd.s32 $0x4E4000, s31;
	s7 =	sadd.s32 $0x2BA00, s9;
	s9 =	sadd.s32 $0x4EDE00, s31  }
.LBB2_1:
0xe: {  	[spmem:s11], [sflag:s6] =	dma.local [hbm:s5], $0x2800  }
0xf: {  	_ =	swait.ge [sflag:s12], $0x2800  }
0x10: {  	[sflag:s12] =	ssyncset.done $0x0  }
0x11: {  	[sflag:s12] =	ssyncadd.s32 $0xFFFFD800  }
0x12: {  	s17 =	sadd.s32 $0x0, s10;
	[bflag:$0x0] =	sbarrier.arrive $0xFFFF  }
0x13: {  	[tilespmem:s3], [sflag:$0x2] =	stream.linear.gather [hbm4b:s17+s3], $0x80, $0x38;
	[tilespmem:$0x18100] =	vst v63  }
0x14: {  	_ =	swait.ge [sflag:s12], $0x80  }
0x15: {  	[sflag:s12] =	ssyncset.done $0x0  }
0x16: {  	s31 =	sadd.s32 $0x0, s9;
	[sflag:s12] =	ssyncadd.s32 $0xFFFFFF80  }
0x17: {  	[tilespmem:s13], [sflag:$0x2] =	stream.linear.gather [hbm4b:s31+s3], $0x80, $0x38;
	[tilespmem:$0x18100] =	vst v63  }
0x18: {  	_ =	swait.ge [sflag:s12], $0x80  }
0x19: {  	[sflag:s12] =	ssyncset.done $0x0  }
0x1a: {  	[sflag:s12] =	ssyncadd.s32 $0xFFFFFF80  }
0x1b: {  	[tilespmem:s14], [sflag:$0x1] =	stream.indirect.gather [hbm4b:s4+s13], $0x80, s3, s13, $0xb8;
	[tilespmem:$0x18100] =	vst v63  }
0x1c: {  	_ =	swait.ge [sflag:s15], $0x4000  }
0x1d: {  	[sflag:s15] =	ssyncset.done $0x0  }
0x1e: {  	[sflag:s15] =	ssyncadd.s32 $0xFFFFC000  }
0x1f: {  	[spmem:s2] =	stream.indirect.scatter.add.f32 [tilespmem:s14], [sflag:$0x2], $0x80, s13, s13, $0xb8;
	[tilespmem:$0x18100] =	vst v63  }
0x20: {  	_ =	swait.ge [sflag:s12], $0x4000  }
0x21: {  	s18 =	simm.s32 $0x20;
	s17 =	simm.s32 $0x10;
	[sflag:s12] =	ssyncset.done $0x0  }
.LBB2_2:
0x22: {  	s19 =	sadd.s32 s17, s10  }
0x23: {  	[sflag:s12] =	ssyncadd.s32 $0xFFFFC000;
	s20 =	smov.u32 s18;
	s21 =	sadd.s32 $0x10, s18  }
0x24: {  	[tilespmem:s3], [sflag:$0x2] =	stream.linear.gather [hbm4b:s19+s3], $0x80, $0x38;
	[tilespmem:$0x18100] =	vst v63  }
0x25: {  	p0 =	sne.s32 s18, $0x4E0;
	_ =	swait.ge [sflag:s12], $0x80  }
0x26: {  	[sflag:s12] =	ssyncset.done $0x0  }
0x27: {  	s18 =	sadd.s32 s17, s9;
	s17 =	smov.u32 s20;
	[sflag:s12] =	ssyncadd.s32 $0xFFFFFF80  }
0x28: {  	[tilespmem:s13], [sflag:$0x2] =	stream.linear.gather [hbm4b:s18+s3], $0x80, $0x38;
	[tilespmem:$0x18100] =	vst v63  }
0x29: {  	_ =	swait.ge [sflag:s12], $0x80  }
0x2a: {  	[sflag:s12] =	ssyncset.done $0x0  }
0x2b: {  	[sflag:s12] =	ssyncadd.s32 $0xFFFFFF80  }
0x2c: {  	[tilespmem:s14], [sflag:$0x1] =	stream.indirect.gather [hbm4b:s4+s13], $0x80, s3, s13, $0xb8;
	[tilespmem:$0x18100] =	vst v63  }
0x2d: {  	_ =	swait.ge [sflag:s15], $0x4000  }
.Ltmp0:
0x2e: {  	[sflag:s15] =	ssyncset.done $0x0;
	(pc) =	sbr.rel @p0 .LBB2_2-.Ltmp0, $4  }
0x2f: {  	[sflag:s15] =	ssyncadd.s32 $0xFFFFC000  }
0x30: {  	[spmem:s2] =	stream.indirect.scatter.add.f32 [tilespmem:s14], [sflag:$0x2], $0x80, s13, s13, $0xb8;
	[tilespmem:$0x18100] =	vst v63  }
0x31: {  	_ =	swait.ge [sflag:s12], $0x4000  }
0x32: {  	s18 =	smov.u32 s21;
	[sflag:s12] =	ssyncset.done $0x0  }
0x33: {  	s18 =	sadd.s32 s17, s10;
	[sflag:s12] =	ssyncadd.s32 $0xFFFFC000  }
0x34: {  	[tilespmem:s3], [sflag:$0x2] =	stream.linear.gather [hbm4b:s18+s3], $0x80, $0x38;
	[tilespmem:$0x18100] =	vst v63  }
0x35: {  	_ =	swait.ge [sflag:s12], $0x80  }
0x36: {  	[sflag:s12] =	ssyncset.done $0x0  }
0x37: {  	s31 =	sadd.s32 s17, s9;
	[sflag:s12] =	ssyncadd.s32 $0xFFFFFF80  }
0x38: {  	[tilespmem:s13], [sflag:$0x2] =	stream.linear.gather [hbm4b:s31+s3], $0x80, $0x38;
	[tilespmem:$0x18100] =	vst v63  }
0x39: {  	_ =	swait.ge [sflag:s12], $0x80  }
0x3a: {  	[sflag:s12] =	ssyncset.done $0x0  }
0x3b: {  	[sflag:s12] =	ssyncadd.s32 $0xFFFFFF80  }
0x3c: {  	[tilespmem:s14], [sflag:$0x1] =	stream.indirect.gather [hbm4b:s4+s13], $0x80, s3, s13, $0xb8;
	[tilespmem:$0x18100] =	vst v63  }
0x3d: {  	_ =	swait.ge [sflag:s15], $0x4000  }
0x3e: {  	[sflag:s15] =	ssyncset.done $0x0  }
0x3f: {  	[sflag:s15] =	ssyncadd.s32 $0xFFFFC000  }
0x40: {  	[spmem:s2] =	stream.indirect.scatter.add.f32 [tilespmem:s14], [sflag:$0x2], $0x80, s13, s13, $0xb8;
	[tilespmem:$0x18100] =	vst v63  }
0x41: {  	_ =	swait.ge [sflag:s12], $0x4000  }
0x42: {  	s16 =	sadd.s32 $0x1, s16;
	[sflag:s12] =	ssyncset.done $0x0  }
0x43: {  	p0 =	sne.s32 s16, s8;
	[sflag:s12] =	ssyncadd.s32 $0xFFFFC000  }
.Ltmp1:
0x44: {  	[bflag:$0x0] =	sbarrier.arrive $0xFFFF;
	(pc) =	sbr.rel @p0 .LBB2_1-.Ltmp1, $4  }
0x45: {  	[hbm:s7], [sflag:s6] =	dma.local [spmem:s11], $0x2800  }
0x46: {  	_ =	swait.ge [sflag:s12], $0x2800  }
0x47: {  	[sflag:s12] =	ssyncset.done $0x0  }
0x48: {  	[sflag:s12] =	ssyncadd.s32 $0xFFFFD800  }
0x49: {  	_ =	sfence.sel $0x180000  }
0x4a: {  	[bflag:$0x0] =	sbarrier.arrive $0xFFFF  }
0x4b: {  	p0 =	sne.s32 s1, $0x0;
	_ =	strace $0x9000004D  }
0x4c: {  	s0 =	sadd.s32 @!p0 $0x100000, s0;
	[bflag:$0x2] =	sbarrier.arrive $0xFFFF  }
0x4d: {  	[sflag:s0] =	ssyncadd.tile.s32 @!p0 $0x1;
	_ =	shalt  }
.Lfunc_end2:
_tile_overlayer_lowered:
.L_overlay_start_2:
0x4e: {  	(tag) =	ssettag $0x2  }
0x4f: {  	s0 =	rddreg [dreg:$0x0];
	s2 =	stileid.u32  }
0x50: {  	s1 =	rddreg [dreg:$0x1];
	p0 =	sne.s32 s2, $0x0  }
0x51: {  	s3 =	rddreg [dreg:$0x2];
	[bflag:$0x3] =	sbarrier.arrive $0xFFFF;
	s2 =	simm.s32 @!p0 $0x1C02  }
0x52: {  	[timem:s3], [sflag:s2] =	dma.local @!p0 [hbm:s0], s1  }
0x53: {  	s0 =	simm.s32 @!p0 $0x2  }
0x54: {  	_ =	swait.ge @!p0 [sflag:s0], s1  }
0x55: {  	s1 =	ssub.s32 @!p0 $0x0, s1;
	[sflag:s0] =	ssyncset.done @!p0 $0x0  }
0x56: {  	[sflag:s0] =	ssyncadd.s32 @!p0 s1  }
0x57: {  	[bflag:$0x3] =	sbarrier.arrive $0xFFFF  }
0x58: {  	_ =	shalt  }

// kernel: kernel.9.cloned.1.call-start
scs
__scs_entry_jumppad:
0x0: {  	(pc) =	sbr.rel $0x88, $3  }
0x1: {  	(tag) =	ssettag $0x0;
	lr =	simm.s32 $0x1  }
0x2: {  	[smem:$0x3F97] =	sst lr;
	_ =	strace $0xD0000000  }
0x3: {  	_ = 	snop  }
0x4: {  	_ = 	snop  }
0x5: {  	_ = 	snop  }
0x6: {  	_ = 	snop  }
0x7: {  	_ = 	snop  }
__scs_overlays_trampoline_lowered:
0x8: {  	[smem:$0x3FA6] =	sst s0  }
0x9: {  	[smem:$0x3FA7] =	sst s1  }
0xa: {  	[smem:$0x3FA8] =	sst s2  }
0xb: {  	[smem:$0x3FA9] =	sst s3  }
0xc: {  	[smem:$0x3FAA] =	sst s4  }
0xd: {  	[smem:$0x3FAB] =	sst s5  }
0xe: {  	[smem:$0x3FAC] =	sst s6  }
0xf: {  	[smem:$0x3FAD] =	sst s7  }
0x10: {  	[smem:$0x3FAE] =	sst s8  }
0x11: {  	[smem:$0x3FAF] =	sst s9;
	s0 =	simm.s32 @!p0 $0x0  }
0x12: {  	s1 =	sld [smem:$0x3F95];
	s0 =	simm.s32 @p0 $0x1  }
0x13: {  	[smem:$0x3FB0] =	sst s0;
	s0 =	simm.s32 @!p1 $0x0  }
0x14: {  	s2 =	sld [smem:$0x3F94];
	s0 =	simm.s32 @p1 $0x1  }
0x15: {  	[smem:$0x3FB1] =	sst s0;
	s0 =	simm.s32 @!p2 $0x0  }
0x16: {  	s3 =	sld [smem:$0x3FDB];
	s0 =	simm.s32 @p2 $0x1  }
0x17: {  	s4 =	simm.s32 $0x1BF5;
	[smem:$0x3FB3] =	sst s0  }
0x18: {  	s0 =	sld [smem:$0x3F96];
	_ =	swait.ge [sflag:s4], $0x0  }
0x19: {  	s7 =	sld [smem:$0x3F97]  }
0x1a: {  	s8 =	sadd.s32 $0xFFFFE003, lr  }
0x1b: {  	s9 =	sadd.s32 $0xFFFFFEF7, lr;
	s5 =	simm.s32 $0xFFFFFFFF;
	p2 =	slt.u32 s8, $0xFFFFF086  }
0x1c: {  	p1 =	slt.u32 s9, $0xF7A;
	s5 =	simm.s32 @!p2 $0x0  }
0x1d: {  	s5 =	simm.s32 @p1 $0x1;
	p0 =	seq.s32 s7, s2  }
0x1e: {  	s7 =	smul.u32 @!p0 $0xF7A, s2;
	p2 =	seq.s32 @!p0 s5, $0x0  }
0x1f: {  	s9 =	smul.u32 $0xF7A, s1;
	s8 =	simm.s32 @!p0 $0x1BF5;
	p2 =	por !p2, p0  }
0x20: {  	[sflag:s8] =	ssyncset.s32 @!p0 $0xFFFFF086;
	s6 =	sadd.s32 @!p0 s3, s7;
	s7 =	simm.s32 @!p0 $0x108  }
0x21: {  	s3 =	sadd.s32 s3, s9;
	s6 =	sadd.s32 @!p0 $0x88, s6;
	s7 =	simm.s32 @p2 $0x1082  }
0x22: {  	[simem:s7], [sflag:s8] =	dma.local @!p0 [hbm:s6], $0xF7A  }
0x23: {  	s9 =	sor.u32 $0xD0000000, s2;
	s6 =	simm.s32 $0x108;
	_ =	swait.ge @!p0 [sflag:s8], $0x0  }
0x24: {  	s3 =	sadd.s32 $0x88, s3;
	s6 =	simm.s32 @!p1 $0x1082;
	[sflag:s4] =	ssyncset.s32 $0xFFFFF086  }
0x25: {  	[simem:s6], [sflag:s4] =	dma.local [hbm:s3], $0xF7A  }
0x26: {  	[smem:$0x3F97] =	sst s1;
	(tag) =	ssettag s2;
	_ =	strace s9  }
0x27: {  	s1 =	sld [smem:$0x3FA7]  }
0x28: {  	s2 =	sld [smem:$0x3FA8]  }
0x29: {  	s4 =	sld [smem:$0x3FAA]  }
0x2a: {  	p0 =	seq.s32 s5, $0x0;
	s5 =	sld [smem:$0x3FAB]  }
0x2b: {  	s6 =	sld [smem:$0x3FAC]  }
0x2c: {  	s7 =	sld [smem:$0x3FAD]  }
0x2d: {  	s3 =	simm.s32 $0x108;
	s8 =	sld [smem:$0x3FAE]  }
0x2e: {  	s3 =	simm.s32 @!p0 $0x1082;
	s9 =	sld [smem:$0x3FAF]  }
0x2f: {  	lr =	sadd.s32 s0, s3;
	s0 =	sld [smem:$0x3FA6]  }
0x30: {  	s3 =	sld [smem:$0x3FA9]  }
0x31: {  	[smem:$0x3FB2] =	sst s10  }
0x32: {  	s10 =	sld [smem:$0x3FB0];
	_ =	sdelay $0x3  }
0x33: {  	p0 =	seq.s32 s10, $0x1;
	s10 =	sld [smem:$0x3FB2];
	_ =	sdelay $0x3  }
0x34: {  	[smem:$0x3FB2] =	sst s10  }
0x35: {  	s10 =	sld [smem:$0x3FB1];
	_ =	sdelay $0x3  }
0x36: {  	p1 =	seq.s32 s10, $0x1;
	s10 =	sld [smem:$0x3FB2];
	_ =	sdelay $0x3  }
0x37: {  	[smem:$0x3FB2] =	sst s10  }
0x38: {  	s10 =	sld [smem:$0x3FB3]  }
0x39: {  	_ = 	snop;
	(pc) =	sbr.ind lr, $3  }
0x3a: {  	_ = 	snop  }
0x3b: {  	_ = 	snop  }
0x3c: {  	p2 =	seq.s32 s10, $0x1;
	s10 =	sld [smem:$0x3FB2]  }
0x3d: {  	_ =	shalt  }
0x3e: {  	_ =	shalt  }
0x3f: {  	_ =	shalt  }
0x40: {  	_ =	shalt  }
0x41: {  	_ =	shalt  }
0x42: {  	_ =	shalt  }
0x43: {  	_ =	shalt  }
0x44: {  	_ =	shalt  }
0x45: {  	_ =	shalt  }
0x46: {  	_ =	shalt  }
0x47: {  	_ =	shalt  }
0x48: {  	_ =	shalt  }
0x49: {  	_ =	shalt  }
0x4a: {  	_ =	shalt  }
0x4b: {  	_ =	shalt  }
0x4c: {  	_ =	shalt  }
0x4d: {  	_ =	shalt  }
0x4e: {  	_ =	shalt  }
0x4f: {  	_ =	shalt  }
0x50: {  	_ =	shalt  }
0x51: {  	_ =	shalt  }
0x52: {  	_ =	shalt  }
0x53: {  	_ =	shalt  }
0x54: {  	_ =	shalt  }
0x55: {  	_ =	shalt  }
0x56: {  	_ =	shalt  }
0x57: {  	_ =	shalt  }
0x58: {  	_ =	shalt  }
0x59: {  	_ =	shalt  }
0x5a: {  	_ =	shalt  }
0x5b: {  	_ =	shalt  }
0x5c: {  	_ =	shalt  }
0x5d: {  	_ =	shalt  }
0x5e: {  	_ =	shalt  }
0x5f: {  	_ =	shalt  }
0x60: {  	_ =	shalt  }
0x61: {  	_ =	shalt  }
0x62: {  	_ =	shalt  }
0x63: {  	_ =	shalt  }
0x64: {  	_ =	shalt  }
0x65: {  	_ =	shalt  }
0x66: {  	_ =	shalt  }
0x67: {  	_ =	shalt  }
0x68: {  	_ =	shalt  }
0x69: {  	_ =	shalt  }
0x6a: {  	_ =	shalt  }
0x6b: {  	_ =	shalt  }
0x6c: {  	_ =	shalt  }
0x6d: {  	_ =	shalt  }
0x6e: {  	_ =	shalt  }
0x6f: {  	_ =	shalt  }
0x70: {  	_ =	shalt  }
0x71: {  	_ =	shalt  }
0x72: {  	_ =	shalt  }
0x73: {  	_ =	shalt  }
0x74: {  	_ =	shalt  }
0x75: {  	_ =	shalt  }
0x76: {  	_ =	shalt  }
0x77: {  	_ =	shalt  }
0x78: {  	_ =	shalt  }
0x79: {  	_ =	shalt  }
0x7a: {  	_ =	shalt  }
0x7b: {  	_ =	shalt  }
0x7c: {  	_ =	shalt  }
0x7d: {  	_ =	shalt  }
0x7e: {  	_ =	shalt  }
0x7f: {  	_ =	shalt  }
0x80: {  	_ =	shalt  }
0x81: {  	_ =	shalt  }
0x82: {  	_ =	shalt  }
0x83: {  	_ =	shalt  }
0x84: {  	_ =	shalt  }
0x85: {  	_ =	shalt  }
0x86: {  	_ =	shalt  }
0x87: {  	_ =	shalt  }
.Lfunc_end0:
.L_simem_size_0:
called_computation_lowered:
.L_overlay_start_0:
0x88: {  	s2 =	sld [smem:$0x3FD9]  }
0x89: {  	s3 =	sld [smem:$0x3FFE];
	_ =	sdelay $0x1  }
0x8a: {  	s1 =	srdreg.scid  }
0x8b: {  	s0 =	sand.u32 $0x1, s1  }
0x8c: {  	s16 =	sshll.u32 s0, $0xA;
	s2 =	sadd.s32 s3, s2  }
0x8d: {  	s2 =	sadd.s32 s2, s16  }
0x8e: {  	[smem:$0x3FBE] =	sst s2  }
0x8f: {  	_ = 	snop  }
0x90: {  	(tm) =	ssettm $0x1  }
0x91: {  	s17 =	sld [smem:$0x3FFB];
	_ =	sdelay $0x3  }
0x92: {  	_ =	strace s17  }
0x93: {  	s2 =	sld [smem:$0x3FFC];
	_ =	sdelay $0x3  }
0x94: {  	_ =	strace s2  }
0x95: {  	s2 =	sld [smem:$0x3FFD];
	_ =	sdelay $0x3  }
0x96: {  	_ =	strace s2  }
0x97: {  	_ =	strace $0x8FFFFFFF  }
0x98: {  	s18 =	sld [smem:$0x3FDB];
	_ =	sdelay $0x1  }
0x99: {  	s19 =	simm.s32 $_scs_section_size  }
0x9a: {  	s4 =	simm.s32 $_size__tile_overlayer_lowered;
	s5 =	simm.s32 $_tile_overlayer_lowered  }
0x9b: {  	s22 =	simm.s32 $0x1BFF;
	s21 =	sshll.u32 s5, $0x1;
	s2 =	sadd.s32 s19, s18  }
0x9c: {  	s6 =	simm.s32 $0x0;
	s20 =	sshll.u32 s4, $0x1;
	s4 =	sadd.s32 s21, s2  }
0x9d: {  	[timem:s6], [sflag:s22] =	dma.local [hbm:s4], s20  }
0x9e: {  	_ =	swait.ge [sflag:s22], s20  }
0x9f: {  	s3 =	ssub.s32 $0x0, s20;
	[sflag:s22] =	ssyncset.done $0x0  }
0xa0: {  	[sflag:s22] =	ssyncadd.s32 s3;
	_ =	sdelay $0x1  }
0xa1: {  	s23 =	simm.s32 $0x1B8B  }
0xa2: {  	_ =	swait.ge [sflag:s23], $0x1  }
0xa3: {  	[sflag:s23] =	ssyncset.done $0x0  }
0xa4: {  	s25 =	simm.s32 $0x1B8E;
	s24 =	sld [smem:$0x3FFE];
	[sflag:s23] =	ssyncadd.s32 $0xFFFFFFFF  }
0xa5: {  	s26 =	simm.s32 $execute0_lowered;
	[smem:$0x3FD2] =	sst s25  }
0xa6: {  	s4 =	sshll.u32 s26, $0x1;
	_ =	strace $0x80000046;
	[dreg:$0x1] =	wrdreg $0xFFFFFFFF  }
0xa7: {  	s28 =	simm.s32 $_size_execute0_lowered;
	s2 =	sadd.s32 s2, s4;
	[dreg:$0x0] =	wrdreg $0x0  }
0xa8: {  	s4 =	sshll.u32 s28, $0x1;
	[dreg:$0x2] =	wrdreg s2  }
0xa9: {  	[dreg:$0x3] =	wrdreg s4  }
0xaa: {  	[dreg:$0x4] =	wrdreg $0xC0  }
0xab: {  	_ =	task [dreg:s6], $0x5FFFF  }
0xac: {  	[dreg:$0x1] =	wrdreg $0xFFFFFFFF  }
0xad: {  	[dreg:$0x0] =	wrdreg $0x60  }
0xae: {  	[dreg:$0x2] =	wrdreg s24  }
0xaf: {  	[dreg:$0x3] =	wrdreg $0x81000  }
0xb0: {  	[dreg:$0x4] =	wrdreg $0xA9000  }
0xb1: {  	[dreg:$0x5] =	wrdreg $0x9  }
0xb2: {  	_ =	task.clear_ibuf [dreg:s6], $0x6FFFF;
	_ =	strace $0x90000046  }
0xb3: {  	s29 =	simm.s32 $0x9;
	_ =	strace $0x80000048  }
0xb4: {  	_ =	swait.ge [sflag:s29], $0x1  }
0xb5: {  	[sflag:s29] =	ssyncadd.s32 $0xFFFFFFFF  }
0xb6: {  	_ =	strace $0x90000048  }
0xb7: {  	_ =	sfence  }
0xb8: {  	s30 =	sld [smem:$0x0];
	_ =	sdelay $0x2  }
0xb9: {  	s31 =	sshll.u32 s1, $0xD;
	s1 =	sshrl.u32 s1, $0x2  }
0xba: {  	s3 =	sand.u32 $0x4000, s31;
	s1 =	sadd.s32 s1, s30  }
0xbb: {  	s0 =	sor.u32 s3, s0;
	s1 =	sshll.u32 s1, $0x11  }
0xbc: {  	s0 =	sor.u32 s1, s0  }
0xbd: {  	s0 =	sadd.s32 $0x8F2B, s0  }
0xbe: {  	[sflag:s0] =	ssyncadd.remote.s32 $0x1  }
0xbf: {  	_ =	sfence.sel $0xFFFF  }
0xc0: {  	[dreg:$0x0] =	wrdreg $0xFFFFFFFF;
	(pc) =	sbr.abs _section_cstart, $3  }
0xc1: {  	[dreg:$0x1] =	wrdreg $0xFFFFFFFF  }
0xc2: {  	_ =	task.clear_ibuf [dreg:s6], $0x2FFFF;
	_ =	strace $0x9FFFFFFF  }
0xc3: {  	(tm) =	ssettm $0x7FFFFFFF  }
tec
execute0_lowered:
.L_overlay_start_1:
0x0: {  	(tag) =	ssettag $0x1  }
0x1: {  	s6 =	rddreg [dreg:$0x0]  }
0x2: {  	s0 =	srdreg.scid;
	s2 =	rddreg [dreg:$0x1]  }
0x3: {  	s3 =	rddreg [dreg:$0x2];
	s5 =	sand.u32 $0x1, s0  }
0x4: {  	s1 =	rddreg [dreg:$0x3];
	s7 =	smul.u32 $0x278000, s5  }
0x5: {  	s4 =	simm.s32 $0x0;
	s0 =	stileid.u32;
	s8 =	smul.u32 $0x27800, s5  }
0x6: {  	s17 =	simm.s32 $0x100;
	s18 =	simm.s32 $0x1;
	s9 =	smul.u32 $0x2780, s0  }
0x7: {  	s19 =	simm.s32 $0x4100;
	[smem:$0x7FF] =	sst s4;
	s10 =	smul.u32 $0x14000, s0  }
0x8: {  	s20 =	simm.s32 $0x0;
	s11 =	smul.u32 $0x140000, s5;
	_ =	strace $0x80000047  }
0x9: {  	s26 =	ssub.s32 $0x2, s5;
	s5 =	sadd.s32 $0x2000, s6;
	s30 =	sshll.u32 s0, $0x6  }
0xa: {  	s14 =	smul.u32 $0x27800, s0;
	s29 =	sshrl.u32 s26, $0x1;
	s8 =	sadd.s32 s9, s8  }
0xb: {  	s22 =	sadd.s32 s7, s6;
	s24 =	sadd.s32 s10, s11;
	s13 =	ssub.s32 s26, s29  }
0xc: {  	s15 =	sadd.s32 s10, s2;
	s16 =	sadd.s32 s10, s3;
	s23 =	sshrl.u32 s8, $0x3  }
0xd: {  	s25 =	sshrl.u32 s24, $0x3;
	s31 =	sadd.s32 s14, s22;
	s9 =	smax.u32 s13, $0x1  }
0xe: {  	s13 =	sshrl.u32 s15, $0x3;
	s14 =	simm.s32 $0x2;
	s15 =	sshrl.u32 s16, $0x3  }
0xf: {  	s16 =	simm.s32 $0x80;
	s12 =	sadd.s32 s23, s6;
	s28 =	sadd.s32 s25, s6  }
0x10: {  	s6 =	sor.u32 $0x1C02, s30;
	s10 =	sadd.s32 $0x4F7C00, s31;
	s7 =	sadd.s32 $0x4800, s28  }
0x11: {  	v0 =	vimm.f32 $1.000000000e+00;
	s8 =	sadd.s32 $0x54800, s28;
	s11 =	sadd.s32 $0x4EDE00, s12;
	s12 =	sadd.s32 $0x4E4000, s12  }
.LBB2_1:
0x12: {  	s21 =	simm.s32 $0x200;
	s22 =	simm.s32 $0x0  }
.LBB2_2:
0x13: {  	p0 =	sne.s32 s21, $0xFE00;
	[tilespmem:s22+$0x4100] =	vst v0;
	s22 =	smov.u32 s21;
	s21 =	sadd.s32 $0x200, s21  }
.Ltmp0:
0x14: {  	(pc) =	sbr.rel @p0 .LBB2_2-.Ltmp0, $2  }
0x15: {  	_ =	sdelay $0x2  }
0x16: {  	s22 =	sshra.s32 s22, $0x2  }
0x17: {  	[tilespmem:s22+$0x4100] =	vst v0  }
0x18: {  	[spmem:s13], [sflag:s6] =	dma.local [hbm:s5], $0x2800  }
0x19: {  	_ =	swait.ge [sflag:s14], $0x2800  }
0x1a: {  	[sflag:s14] =	ssyncset.done $0x0  }
0x1b: {  	[sflag:s14] =	ssyncadd.s32 $0xFFFFD800  }
0x1c: {  	[spmem:s15], [sflag:s6] =	dma.local [hbm:s5], $0x2800  }
0x1d: {  	_ =	swait.ge [sflag:s14], $0x2800  }
0x1e: {  	[sflag:s14] =	ssyncset.done $0x0  }
0x1f: {  	[sflag:s14] =	ssyncadd.s32 $0xFFFFD800  }
0x20: {  	s21 =	sadd.s32 $0x0, s12;
	[bflag:$0x0] =	sbarrier.arrive $0xFFFF  }
0x21: {  	[tilespmem:s4], [sflag:$0x2] =	stream.linear.gather [hbm4b:s21+s4], $0x80, $0x38;
	[tilespmem:$0xD100] =	vst v63  }
0x22: {  	_ =	swait.ge [sflag:s14], $0x80  }
0x23: {  	[sflag:s14] =	ssyncset.done $0x0  }
0x24: {  	s31 =	sadd.s32 $0x0, s11;
	[sflag:s14] =	ssyncadd.s32 $0xFFFFFF80  }
0x25: {  	[tilespmem:s16], [sflag:$0x2] =	stream.linear.gather [hbm4b:s31+s4], $0x80, $0x38;
	[tilespmem:$0xD100] =	vst v63  }
0x26: {  	_ =	swait.ge [sflag:s14], $0x80  }
0x27: {  	[sflag:s14] =	ssyncset.done $0x0  }
0x28: {  	[sflag:s14] =	ssyncadd.s32 $0xFFFFFF80  }
0x29: {  	[tilespmem:s17], [sflag:$0x1] =	stream.linear.gather [hbm4b:s10+s4], $0x4000, $0x38;
	[tilespmem:$0xD100] =	vst v63  }
0x2a: {  	_ =	swait.ge [sflag:s18], $0x4000  }
0x2b: {  	[sflag:s18] =	ssyncset.done $0x0  }
0x2c: {  	[sflag:s18] =	ssyncadd.s32 $0xFFFFC000  }
0x2d: {  	[spmem:s2] =	stream.indirect.scatter.add.f32 [tilespmem:s17], [sflag:$0x2], $0x10, s4, s16, $0xb8;
	[tilespmem:$0xD100] =	vst v63  }
0x2e: {  	_ =	swait.ge [sflag:s14], $0x800  }
0x2f: {  	[sflag:s14] =	ssyncset.done $0x0  }
0x30: {  	[sflag:s14] =	ssyncadd.s32 $0xFFFFF800  }
0x31: {  	[spmem:s2] =	stream.indirect.scatter.add.f32 [tilespmem:s17], [sflag:$0x2], $0x10, s16, s16, $0xb8;
	[tilespmem:$0xD100] =	vst v63  }
0x32: {  	_ =	swait.ge [sflag:s14], $0x800  }
0x33: {  	[sflag:s14] =	ssyncset.done $0x0  }
0x34: {  	[sflag:s14] =	ssyncadd.s32 $0xFFFFF800  }
0x35: {  	[spmem:s3] =	stream.indirect.scatter.add.f32 [tilespmem:s19], [sflag:$0x2], $0x10, s16, s16, $0xb8;
	[tilespmem:$0xD100] =	vst v63  }
0x36: {  	s22 =	simm.s32 $0x10;
	_ =	swait.ge [sflag:s14], $0x800  }
0x37: {  	s23 =	simm.s32 $0x20;
	s21 =	sadd.s32 $0x800, s10;
	[sflag:s14] =	ssyncset.done $0x0  }
.LBB2_4:
0x38: {  	s24 =	sadd.s32 s22, s12  }
0x39: {  	[sflag:s14] =	ssyncadd.s32 $0xFFFFF800;
	s25 =	smov.u32 s23;
	s26 =	sadd.s32 $0x10, s23  }
0x3a: {  	[tilespmem:s4], [sflag:$0x2] =	stream.linear.gather [hbm4b:s24+s4], $0x80, $0x38;
	[tilespmem:$0xD100] =	vst v63  }
0x3b: {  	p0 =	sne.s32 s23, $0x4E0;
	_ =	swait.ge [sflag:s14], $0x80  }
0x3c: {  	[sflag:s14] =	ssyncset.done $0x0  }
0x3d: {  	s23 =	sadd.s32 s22, s11;
	s22 =	smov.u32 s25;
	[sflag:s14] =	ssyncadd.s32 $0xFFFFFF80  }
0x3e: {  	[tilespmem:s16], [sflag:$0x2] =	stream.linear.gather [hbm4b:s23+s4], $0x80, $0x38;
	[tilespmem:$0xD100] =	vst v63  }
0x3f: {  	_ =	swait.ge [sflag:s14], $0x80  }
0x40: {  	[sflag:s14] =	ssyncset.done $0x0  }
0x41: {  	[sflag:s14] =	ssyncadd.s32 $0xFFFFFF80  }
0x42: {  	[tilespmem:s17], [sflag:$0x1] =	stream.linear.gather [hbm4b:s21+s4], $0x4000, $0x38;
	[tilespmem:$0xD100] =	vst v63  }
0x43: {  	_ =	swait.ge [sflag:s18], $0x4000  }
0x44: {  	[sflag:s18] =	ssyncset.done $0x0  }
0x45: {  	[sflag:s18] =	ssyncadd.s32 $0xFFFFC000  }
0x46: {  	[spmem:s2] =	stream.indirect.scatter.add.f32 [tilespmem:s17], [sflag:$0x2], $0x10, s4, s16, $0xb8;
	[tilespmem:$0xD100] =	vst v63  }
0x47: {  	_ =	swait.ge [sflag:s14], $0x800  }
0x48: {  	[sflag:s14] =	ssyncset.done $0x0  }
0x49: {  	[sflag:s14] =	ssyncadd.s32 $0xFFFFF800  }
0x4a: {  	[spmem:s2] =	stream.indirect.scatter.add.f32 [tilespmem:s17], [sflag:$0x2], $0x10, s16, s16, $0xb8;
	[tilespmem:$0xD100] =	vst v63  }
0x4b: {  	_ =	swait.ge [sflag:s14], $0x800  }
.Ltmp1:
0x4c: {  	[sflag:s14] =	ssyncset.done $0x0;
	(pc) =	sbr.rel @p0 .LBB2_4-.Ltmp1, $4  }
0x4d: {  	[sflag:s14] =	ssyncadd.s32 $0xFFFFF800  }
0x4e: {  	[spmem:s3] =	stream.indirect.scatter.add.f32 [tilespmem:s19], [sflag:$0x2], $0x10, s16, s16, $0xb8;
	[tilespmem:$0xD100] =	vst v63  }
0x4f: {  	_ =	swait.ge [sflag:s14], $0x800  }
0x50: {  	s23 =	smov.u32 s26;
	s21 =	sadd.s32 $0x800, s21;
	[sflag:s14] =	ssyncset.done $0x0  }
0x51: {  	s23 =	sadd.s32 s22, s12;
	[sflag:s14] =	ssyncadd.s32 $0xFFFFF800  }
0x52: {  	[tilespmem:s4], [sflag:$0x2] =	stream.linear.gather [hbm4b:s23+s4], $0x80, $0x38;
	[tilespmem:$0xD100] =	vst v63  }
0x53: {  	_ =	swait.ge [sflag:s14], $0x80  }
0x54: {  	[sflag:s14] =	ssyncset.done $0x0  }
0x55: {  	s31 =	sadd.s32 s22, s11;
	[sflag:s14] =	ssyncadd.s32 $0xFFFFFF80  }
0x56: {  	[tilespmem:s16], [sflag:$0x2] =	stream.linear.gather [hbm4b:s31+s4], $0x80, $0x38;
	[tilespmem:$0xD100] =	vst v63  }
0x57: {  	_ =	swait.ge [sflag:s14], $0x80  }
0x58: {  	[sflag:s14] =	ssyncset.done $0x0  }
0x59: {  	[sflag:s14] =	ssyncadd.s32 $0xFFFFFF80  }
0x5a: {  	[tilespmem:s17], [sflag:$0x1] =	stream.linear.gather [hbm4b:s21+s4], $0x4000, $0x38;
	[tilespmem:$0xD100] =	vst v63  }
0x5b: {  	_ =	swait.ge [sflag:s18], $0x4000  }
0x5c: {  	[sflag:s18] =	ssyncset.done $0x0  }
0x5d: {  	[sflag:s18] =	ssyncadd.s32 $0xFFFFC000  }
0x5e: {  	[spmem:s2] =	stream.indirect.scatter.add.f32 [tilespmem:s17], [sflag:$0x2], $0x10, s4, s16, $0xb8;
	[tilespmem:$0xD100] =	vst v63  }
0x5f: {  	_ =	swait.ge [sflag:s14], $0x800  }
0x60: {  	[sflag:s14] =	ssyncset.done $0x0  }
0x61: {  	[sflag:s14] =	ssyncadd.s32 $0xFFFFF800  }
0x62: {  	[spmem:s2] =	stream.indirect.scatter.add.f32 [tilespmem:s17], [sflag:$0x2], $0x10, s16, s16, $0xb8;
	[tilespmem:$0xD100] =	vst v63  }
0x63: {  	_ =	swait.ge [sflag:s14], $0x800  }
0x64: {  	[sflag:s14] =	ssyncset.done $0x0  }
0x65: {  	[sflag:s14] =	ssyncadd.s32 $0xFFFFF800  }
0x66: {  	[spmem:s3] =	stream.indirect.scatter.add.f32 [tilespmem:s19], [sflag:$0x2], $0x10, s16, s16, $0xb8;
	[tilespmem:$0xD100] =	vst v63  }
0x67: {  	_ =	swait.ge [sflag:s14], $0x800  }
0x68: {  	[sflag:s14] =	ssyncset.done $0x0  }
0x69: {  	[sflag:s14] =	ssyncadd.s32 $0xFFFFF800  }
0x6a: {  	[bflag:$0x0] =	sbarrier.arrive $0xFFFF  }
0x6b: {  	[hbm:s7], [sflag:s6] =	dma.local [spmem:s13], $0x2800  }
0x6c: {  	s20 =	sadd.s32 $0x1, s20;
	_ =	swait.ge [sflag:s14], $0x2800  }
0x6d: {  	p0 =	sne.s32 s20, s9;
	[sflag:s14] =	ssyncset.done $0x0  }
.Ltmp2:
0x6e: {  	[sflag:s14] =	ssyncadd.s32 $0xFFFFD800;
	(pc) =	sbr.rel @p0 .LBB2_1-.Ltmp2, $4  }
0x6f: {  	[hbm:s8], [sflag:s6] =	dma.local [spmem:s15], $0x2800  }
0x70: {  	_ =	swait.ge [sflag:s14], $0x2800  }
0x71: {  	[sflag:s14] =	ssyncset.done $0x0  }
0x72: {  	[sflag:s14] =	ssyncadd.s32 $0xFFFFD800  }
0x73: {  	_ =	sfence.sel $0x180000  }
0x74: {  	[bflag:$0x0] =	sbarrier.arrive $0xFFFF  }
0x75: {  	p0 =	sne.s32 s0, $0x0;
	_ =	strace $0x90000047  }
0x76: {  	s0 =	sadd.s32 @!p0 $0x100000, s1;
	[bflag:$0x2] =	sbarrier.arrive $0xFFFF  }
0x77: {  	[sflag:s0] =	ssyncadd.tile.s32 @!p0 $0x1;
	_ =	shalt  }
.Lfunc_end2:
_tile_overlayer_lowered:
.L_overlay_start_2:
0x78: {  	(tag) =	ssettag $0x2  }
0x79: {  	s0 =	rddreg [dreg:$0x0];
	s2 =	stileid.u32  }
0x7a: {  	s1 =	rddreg [dreg:$0x1];
	p0 =	sne.s32 s2, $0x0  }
0x7b: {  	s3 =	rddreg [dreg:$0x2];
	[bflag:$0x3] =	sbarrier.arrive $0xFFFF;
	s2 =	simm.s32 @!p0 $0x1C02  }
0x7c: {  	[timem:s3], [sflag:s2] =	dma.local @!p0 [hbm:s0], s1  }
0x7d: {  	s0 =	simm.s32 @!p0 $0x2  }
0x7e: {  	_ =	swait.ge @!p0 [sflag:s0], s1  }
0x7f: {  	s1 =	ssub.s32 @!p0 $0x0, s1;
	[sflag:s0] =	ssyncset.done @!p0 $0x0  }
0x80: {  	[sflag:s0] =	ssyncadd.s32 @!p0 s1  }
0x81: {  	[bflag:$0x3] =	sbarrier.arrive $0xFFFF  }
0x82: {  	_ =	shalt  }

</sc_bundles>
